<compile_context>
chip_gen: v7x
topology: tpu7x:2x2x1
jax: 0.10.2.dev20260603
libtpu: 0.0.44.dev20260713+nightly
codegen_flags: <defaults>
</compile_context>

<pallas_src>
import functools

import jax
import jax.numpy as jnp
from jax import lax
from jax.experimental import pallas as pl
from jax.experimental.pallas import tpu as pltpu
from jax.experimental.pallas import tpu_sc as plsc

_A = 9
_HW = 50
_P = _HW * _HW
_N = _P * _A
_NPAD = 22528
_C = 512
_PRE_N = 6000
_CN = 6016
_POST_N = 300
_NMS_T = 0.7
_MIN_SIZE = 16.0
_BIG = 1 << 30
_DEAD = -2147483648
_DUMP = 6008


def _trunk_body(xp_ref, wt_ref, hw_ref, hb_ref, cb_ref, anc_ref, lim_ref,
                locs_ref, scores_ref, buf5_ref, rank_ref):
    f32 = jnp.float32
    jcol = jax.lax.broadcasted_iota(jnp.int32, (1, _P), 1) % _HW

    cols = []
    for t in range(9):
        dy, dx = t // 3, t % 3
        off = (dy - 1) * _HW + (dx - 1)
        if off < 0:
            xs = jnp.concatenate(
                [jnp.zeros((_C, -off), f32), xp_ref[:, :_P + off]], axis=1)
        elif off > 0:
            xs = jnp.concatenate(
                [xp_ref[:, off:], jnp.zeros((_C, off), f32)], axis=1)
        else:
            xs = xp_ref[...]
        if dx == 0:
            xs = jnp.where(jcol != 0, xs, 0.0)
        elif dx == 2:
            xs = jnp.where(jcol != _HW - 1, xs, 0.0)
        cols.append(xs)
    xcat = jnp.concatenate(cols, axis=0)
    acc = jnp.dot(wt_ref[...], xcat, preferred_element_type=f32)
    feat = jnp.maximum(acc + cb_ref[...], 0.0)

    heads = jnp.dot(hw_ref[...], feat, preferred_element_type=f32) + hb_ref[...]
    scores_ref[...] = heads[0:18]
    locs_ref[...] = heads[18:54]

    fg = jnp.concatenate(
        [jax.nn.sigmoid(heads[2 * a + 1:2 * a + 2] - heads[2 * a:2 * a + 1])
         for a in range(_A)], axis=0)
    loc = [jnp.concatenate([heads[18 + 4 * a + d:18 + 4 * a + d + 1]
                            for a in range(_A)], axis=0) for d in range(4)]

    ay1, ax1, ay2, ax2 = anc_ref[0], anc_ref[1], anc_ref[2], anc_ref[3]
    ah = ay2 - ay1
    aw = ax2 - ax1
    acy = ay1 + 0.5 * ah
    acx = ax1 + 0.5 * aw
    ncy = loc[0] * ah + acy
    ncx = loc[1] * aw + acx
    nh = jnp.exp(loc[2]) * ah
    nw = jnp.exp(loc[3]) * aw
    lim = lim_ref[0, 0]
    y1 = jnp.clip(ncy - 0.5 * nh, 0.0, lim)
    x1 = jnp.clip(ncx - 0.5 * nw, 0.0, lim)
    y2 = jnp.clip(ncy + 0.5 * nh, 0.0, lim)
    x2 = jnp.clip(ncx + 0.5 * nw, 0.0, lim)
    hs = y2 - y1
    ws = x2 - x1
    valid = (hs >= _MIN_SIZE) & (ws >= _MIN_SIZE)
    sc = jnp.where(valid, fg, -jnp.inf)

    kidx = (jax.lax.broadcasted_iota(jnp.int32, (_A, _P), 1) * _A
            + jax.lax.broadcasted_iota(jnp.int32, (_A, _P), 0))

    key = jax.lax.bitcast_convert_type(sc, jnp.int32)

    def bs_val(_, lohi):
        lo, hi = lohi
        mid = (lo + hi) // 2
        c = jnp.sum((key >= mid).astype(jnp.int32))
        take = c >= _PRE_N
        return jnp.where(take, mid, lo), jnp.where(take, hi, mid)

    vlo, _ = jax.lax.fori_loop(
        0, 31, bs_val, (jnp.int32(-8388609), jnp.int32(1065353218)))
    vk = vlo
    count_gt = jnp.sum((key > vk).astype(jnp.int32))
    need = _PRE_N - count_gt
    eq = key == vk

    def bs_idx(_, lohi):
        lo, hi = lohi
        mid = (lo + hi) // 2
        c = jnp.sum((eq & (kidx < mid)).astype(jnp.int32))
        take = c >= need
        return jnp.where(take, lo, mid), jnp.where(take, mid, hi)

    _, khi = jax.lax.fori_loop(
        0, 16, bs_idx, (jnp.int32(0), jnp.int32(_N + 1)))
    member = (key > vk) | (eq & (kidx < khi))

    mi = member.astype(jnp.int32)
    colcnt = jnp.sum(mi, axis=0, keepdims=True)
    inc = colcnt
    sft = 1
    while sft < _P:
        shifted = jnp.concatenate(
            [jnp.zeros((1, sft), jnp.int32), inc[:, :_P - sft]], axis=1)
        inc = inc + shifted
        sft *= 2
    pcol = inc - colcnt
    rows = [jnp.zeros((1, _P), jnp.int32)]
    run = jnp.zeros((1, _P), jnp.int32)
    for a in range(1, _A):
        run = run + mi[a - 1:a]
        rows.append(run)
    wa = jnp.concatenate(rows, axis=0)
    rank = pcol + wa
    rank_ref[...] = jnp.where(member, rank, jnp.int32(_DUMP))
    ki = jnp.where(member, key, jnp.int32(_DEAD))
    kif = jax.lax.bitcast_convert_type(ki, f32)
    buf5_ref[...] = jnp.concatenate(
        [v.reshape(1, _A, _P) for v in (y1, x1, y2, x2, kif)], axis=0)


def _nms_body(c5_ref, rois_ref):
    f32 = jnp.float32
    y1 = c5_ref[0]
    x1 = c5_ref[1]
    y2 = c5_ref[2]
    x2 = c5_ref[3]
    kc = jax.lax.bitcast_convert_type(c5_ref[4], jnp.int32)
    pos = (jax.lax.broadcasted_iota(jnp.int32, (47, 128), 0) * 128
           + jax.lax.broadcasted_iota(jnp.int32, (47, 128), 1))
    ki0 = jnp.where(pos < _PRE_N, kc, jnp.int32(_DEAD))
    area = (y2 - y1) * (x2 - x1)
    lane = jax.lax.broadcasted_iota(jnp.int32, (1, 128), 1)

    def nms_body(i, st):
        ki, pad = st
        m = jnp.max(ki)
        has = m > _DEAD
        eqm = ki == m
        cnt = jnp.sum(eqm.astype(jnp.int32))

        def msum(arr, msk):
            return jnp.sum(jnp.where(msk, arr, 0.0))

        ry1, rx1, ry2, rx2 = (msum(y1, eqm), msum(x1, eqm),
                              msum(y2, eqm), msum(x2, eqm))

        def fast():
            return ry1, rx1, ry2, rx2, jnp.where(eqm, jnp.int32(_DEAD), ki)

        def slow():
            selpos = jnp.min(jnp.where(eqm, pos, jnp.int32(_BIG)))
            selm = pos == selpos
            return (msum(y1, selm), msum(x1, selm), msum(y2, selm),
                    msum(x2, selm), jnp.where(selm, jnp.int32(_DEAD), ki))

        by1, bx1, by2, bx2, kiex = jax.lax.cond(cnt == 1, fast, slow)
        barea = (by2 - by1) * (bx2 - bx1)
        iy1 = jnp.maximum(by1, y1)
        ix1 = jnp.maximum(bx1, x1)
        iy2 = jnp.minimum(by2, y2)
        ix2 = jnp.minimum(bx2, x2)
        inter = jnp.maximum(iy2 - iy1, 0.0) * jnp.maximum(ix2 - ix1, 0.0)
        iou = inter / (barea + area - inter + 1e-9)
        keep = (iou <= _NMS_T) & has
        ki = jnp.where(keep, kiex, jnp.int32(_DEAD))
        row = jnp.where(lane == 0, by1,
                        jnp.where(lane == 1, bx1,
                                  jnp.where(lane == 2, by2,
                                            jnp.where(lane == 3, bx2, 0.0))))
        pad = jnp.where(i == 0, row, pad)
        rois_ref[pl.ds(i, 1), :] = jnp.where(has, row, pad)
        return ki, pad

    jax.lax.fori_loop(0, _POST_N, nms_body,
                      (ki0, jnp.zeros((1, 128), f32)))


def _make_compact():
    info = plsc.get_sparse_core_info()
    ns = info.num_subcores
    mesh = plsc.VectorSubcoreMesh(core_axis_name="c", subcore_axis_name="s")

    @functools.partial(
        pl.kernel, mesh=mesh,
        compiler_params=pltpu.CompilerParams(needs_layout_passes=False),
        out_type=jax.ShapeDtypeStruct((5 * _CN,), jnp.float32),
        scratch_types=[pltpu.VMEM((_NPAD,), jnp.float32),
                       pltpu.VMEM((_NPAD,), jnp.int32),
                       pltpu.VMEM((_CN,), jnp.float32)])
    def compact(pay_hbm, rank_hbm, out5_hbm, vf, vrank, of):
        wid = lax.axis_index("c") * ns + lax.axis_index("s")

        for j in range(5):
            @pl.when(wid == j)
            def _(j=j):
                pltpu.sync_copy(rank_hbm, vrank)
                pltpu.sync_copy(pay_hbm.at[pl.ds(j * _NPAD, _NPAD)], vf)

                def body(i, carry):
                    sl = pl.ds(i * 16, 16)
                    plsc.store_scatter(of, [vrank[sl]], vf[sl])
                    return carry

                lax.fori_loop(0, _NPAD // 16, body, 0)
                pltpu.sync_copy(of, out5_hbm.at[pl.ds(j * _CN, _CN)])

    return compact


def kernel(x, img_size, conv1_w, conv1_b, score_w, score_b, loc_w, loc_b,
           anchors):
    xp = x.reshape(_C, _P)
    wt = conv1_w.transpose(0, 2, 3, 1).reshape(_C, 9 * _C)
    hw = jnp.concatenate([score_w.reshape(2 * _A, _C),
                          loc_w.reshape(4 * _A, _C)], axis=0)
    hb = jnp.concatenate([score_b, loc_b]).reshape(6 * _A, 1)
    cb = conv1_b.reshape(_C, 1)
    anc = anchors.reshape(_P, _A, 4).transpose(2, 1, 0)
    lim = jnp.asarray(img_size, jnp.float32).reshape(1, 1)

    f32 = jnp.float32
    locs_o, scores_o, buf5, ranko = pl.pallas_call(
        _trunk_body,
        out_shape=[
            jax.ShapeDtypeStruct((4 * _A, _P), f32),
            jax.ShapeDtypeStruct((2 * _A, _P), f32),
            jax.ShapeDtypeStruct((5, _A, _P), f32),
            jax.ShapeDtypeStruct((_A, _P), jnp.int32),
        ],
    )(xp, wt, hw, hb, cb, anc, lim)

    pay = jnp.pad(buf5.reshape(5, _N),
                  ((0, 0), (0, _NPAD - _N))).reshape(5 * _NPAD)
    rank = jnp.pad(ranko.reshape(_N), (0, _NPAD - _N),
                   constant_values=_DUMP)

    out5 = _make_compact()(pay, rank)

    rois_o = pl.pallas_call(
        _nms_body,
        out_shape=[jax.ShapeDtypeStruct((_POST_N, 128), f32)],
    )(out5.reshape(5, 47, 128))[0]

    rpn_locs = locs_o.T.reshape(1, _N, 4)
    rpn_scores = scores_o.T.reshape(1, _N, 2)
    rois = rois_o[:, :4].reshape(1, _POST_N, 4)
    return rpn_locs, rpn_scores, rois

# --- scband reference (transcript-rebuilt; emitter-appended) ---
"""Pipeline reference for scband-region-proposal-network-11811160064381 (READ-ONLY COPY).

The authoritative reference and input builder live on the scoring server;
editing this copy changes nothing except your own understanding.
"""

import jax, jax.numpy as jnp
import numpy as np

A = 9

def _generate_anchors(hh, ww, feat_stride):
    base_size = 16.0
    ratios = [0.5, 1.0, 2.0]
    scales = [8.0, 16.0, 32.0]
    base = []
    for r in ratios:
        for s in scales:
            h = base_size * s * np.sqrt(r)
            w = base_size * s * np.sqrt(1.0 / r)
            cy = base_size / 2.0
            cx = base_size / 2.0
            base.append([cy - h / 2.0, cx - w / 2.0, cy + h / 2.0, cx + w / 2.0])
    base = np.array(base, dtype=np.float32)
    sy = np.arange(hh, dtype=np.float32) * feat_stride
    sx = np.arange(ww, dtype=np.float32) * feat_stride
    gy, gx = np.meshgrid(sy, sx, indexing='ij')
    shifts = np.stack([gy.ravel(), gx.ravel(), gy.ravel(), gx.ravel()], axis=1)
    anchors = (shifts[:, None, :] + base[None, :, :]).reshape(-1, 4).astype(np.float32)
    return jnp.asarray(anchors)

def _conv2d(x, w, b, padding):
    y = jax.lax.conv_general_dilated(x, w, (1, 1), padding, dimension_numbers=('NCHW', 'OIHW', 'NCHW'))
    return y + b[None, :, None, None]

def _loc2bbox(anchors, locs):
    h = anchors[:, 2] - anchors[:, 0]
    w = anchors[:, 3] - anchors[:, 1]
    cy = anchors[:, 0] + 0.5 * h
    cx = anchors[:, 1] + 0.5 * w
    ncy = locs[:, 0] * h + cy
    ncx = locs[:, 1] * w + cx
    nh = jnp.exp(locs[:, 2]) * h
    nw = jnp.exp(locs[:, 3]) * w
    return jnp.stack([ncy - 0.5 * nh, ncx - 0.5 * nw, ncy + 0.5 * nh, ncx + 0.5 * nw], axis=1)

def _nms(boxes, post_n, thresh):
    y1, x1, y2, x2 = boxes[:, 0], boxes[:, 1], boxes[:, 2], boxes[:, 3]
    areas = (y2 - y1) * (x2 - x1)
    active = jnp.ones(boxes.shape[0], dtype=bool)
    keep = []
    for _ in range(post_n):
        idx = jnp.argmax(active)
        valid = active[idx]
        keep.append(jnp.where(valid, idx, 0))
        b = boxes[idx]
        iy1 = jnp.maximum(b[0], y1)
        ix1 = jnp.maximum(b[1], x1)
        iy2 = jnp.minimum(b[2], y2)
        ix2 = jnp.minimum(b[3], x2)
        inter = jnp.maximum(iy2 - iy1, 0.0) * jnp.maximum(ix2 - ix1, 0.0)
        iou = inter / (areas[idx] + areas - inter + 1e-9)
        active = active & (iou <= thresh) & valid
        active = active.at[idx].set(False)
    return boxes[jnp.stack(keep)]

def _proposal(locs, fg_scores, anchors, img_size, pre_n=6000, post_n=300, nms_thresh=0.7, min_size=16.0):
    boxes = _loc2bbox(anchors, locs)
    lim = jnp.asarray(img_size, dtype=boxes.dtype)
    boxes = jnp.stack([
        jnp.clip(boxes[:, 0], 0.0, lim),
        jnp.clip(boxes[:, 1], 0.0, lim),
        jnp.clip(boxes[:, 2], 0.0, lim),
        jnp.clip(boxes[:, 3], 0.0, lim)], axis=1)
    hs = boxes[:, 2] - boxes[:, 0]
    ws = boxes[:, 3] - boxes[:, 1]
    valid = (hs >= min_size) & (ws >= min_size)
    scores = jnp.where(valid, fg_scores, -jnp.inf)
    _, idx = jax.lax.top_k(scores, pre_n)
    return _nms(boxes[idx], post_n, nms_thresh)

def setup_inputs(seed: int = 0):
    key = jax.random.key(seed)
    ks = jax.random.split(key, 6)
    x = jax.random.normal(ks[0], (1, 512, 50, 50), dtype=jnp.float32)
    conv1_w = jax.random.normal(ks[1], (512, 512, 3, 3), dtype=jnp.float32) * 0.01
    conv1_b = jnp.zeros((512,), dtype=jnp.float32)
    score_w = jax.random.normal(ks[2], (A * 2, 512, 1, 1), dtype=jnp.float32) * 0.01
    score_b = jnp.zeros((A * 2,), dtype=jnp.float32)
    loc_w = jax.random.normal(ks[3], (A * 4, 512, 1, 1), dtype=jnp.float32) * 0.01
    loc_b = jnp.zeros((A * 4,), dtype=jnp.float32)
    anchors = _generate_anchors(50, 50, 16)
    return {"x": x, "img_size": 800, "conv1_w": conv1_w, "conv1_b": conv1_b, "score_w": score_w, "score_b": score_b, "loc_w": loc_w, "loc_b": loc_b, "anchors": anchors}

def reference(x, img_size, conv1_w, conv1_b, score_w, score_b, loc_w, loc_b, anchors):
    n, _, hh, ww = x.shape
    features = jax.nn.relu(_conv2d(x, conv1_w, conv1_b, 'SAME'))
    rpn_locs = jnp.transpose(_conv2d(features, loc_w, loc_b, 'SAME'), (0, 2, 3, 1)).reshape(n, -1, 4)
    rpn_scores = jnp.transpose(_conv2d(features, score_w, score_b, 'SAME'), (0, 2, 3, 1))
    sm = jax.nn.softmax(rpn_scores.reshape(n, hh, ww, A, 2), axis=4)
    fg = sm[..., 1].reshape(n, -1)
    rpn_scores = rpn_scores.reshape(n, -1, 2)
    rois = []
    for i in range(n):
        rois.append(_proposal(jax.lax.stop_gradient(rpn_locs[i]), jax.lax.stop_gradient(fg[i]), anchors, img_size))
    rois = jnp.stack(rois, axis=0)
    return rpn_locs, rpn_scores, rois

if __name__ == "__main__":
    import jax
    _d = setup_inputs()
    print(jax.jit(kernel)(*tuple(_d.values())))

</pallas_src>

<mosaic_0001>
#map = affine_map<(d0, d1) -> (0)>
module attributes {stable_mosaic.version = 14 : i64} {
  func.func @compact(%arg0: i32, %arg1: i32, %arg2: memref<112640xf32, #tpu.memory_space<hbm>>, %arg3: memref<22528xi32, #tpu.memory_space<hbm>>, %arg4: memref<30080xf32, #tpu.memory_space<hbm>>, %arg5: memref<22528xf32, #tpu.memory_space<vmem>>, %arg6: memref<22528xi32, #tpu.memory_space<vmem>>, %arg7: memref<6016xf32, #tpu.memory_space<vmem>>) attributes {dimension_semantics = [#tpu.dimension_semantics<core_parallel>, #tpu.dimension_semantics<subcore_parallel>], iteration_bounds = array<i64: 2, 16>, scalar_prefetch = 0 : i64, scratch_operands = 3 : i64, tpu.core_type = #tpu.core_type<sc_vector_subcore>, window_params = [{transform_indices = #map}, {transform_indices = #map}, {transform_indices = #map}]} {
    %mul3A = arith.constant 16 : i32
    %mul3A_0 = arith.muli %arg0, %mul3A : i32
    %add3A = arith.addi %mul3A_0, %arg1 : i32
    %eq3A = arith.constant 0 : i32
    %eq3A_1 = arith.cmpi eq, %add3A, %eq3A : i32
    %convert_element_type3A = arith.extui %eq3A_1 : i1 to i32
    %cond3A = arith.constant 0 : i32
    %cond3A_2 = arith.cmpi ne, %convert_element_type3A, %cond3A : i32
    scf.if %cond3A_2 {
      "tpu.region"() ({
        %run_scoped3A = tpu.sem_alloc : memref<!tpu.dma_semaphore, #tpu.memory_space<semaphore_mem>>
        tpu.enqueue_dma source(%arg3 : memref<22528xi32, #tpu.memory_space<hbm>>) target(%arg6 : memref<22528xi32, #tpu.memory_space<vmem>>) target_semaphore(%run_scoped3A : memref<!tpu.dma_semaphore, #tpu.memory_space<semaphore_mem>>)
        tpu.wait_dma2 semaphore(%run_scoped3A : memref<!tpu.dma_semaphore, #tpu.memory_space<semaphore_mem>>) src(%arg3 : memref<22528xi32, #tpu.memory_space<hbm>>) dst(%arg6 : memref<22528xi32, #tpu.memory_space<vmem>>)
        tpu.yield
      }) : () -> ()
      "tpu.region"() ({
        %run_scoped3A = tpu.sem_alloc : memref<!tpu.dma_semaphore, #tpu.memory_space<semaphore_mem>>
        %dma_start3A = arith.constant 0 : i32
        %dma_start3A_28 = tpu.memref_slice %arg2[%dma_start3A] : memref<112640xf32, #tpu.memory_space<hbm>> -> memref<22528xf32, #tpu.memory_space<hbm>>
        %dma_start3A_29 = arith.constant 0 : i32
        %dma_start3A_30 = tpu.memref_slice %arg2[%dma_start3A_29] : memref<112640xf32, #tpu.memory_space<hbm>> -> memref<22528xf32, #tpu.memory_space<hbm>>
        tpu.enqueue_dma source(%dma_start3A_30 : memref<22528xf32, #tpu.memory_space<hbm>>) target(%arg5 : memref<22528xf32, #tpu.memory_space<vmem>>) target_semaphore(%run_scoped3A : memref<!tpu.dma_semaphore, #tpu.memory_space<semaphore_mem>>)
        %dma_wait3A = arith.constant 0 : i32
        %dma_wait3A_31 = tpu.memref_slice %arg2[%dma_wait3A] : memref<112640xf32, #tpu.memory_space<hbm>> -> memref<22528xf32, #tpu.memory_space<hbm>>
        %dma_wait3A_32 = arith.constant 0 : i32
        %dma_wait3A_33 = tpu.memref_slice %arg2[%dma_wait3A_32] : memref<112640xf32, #tpu.memory_space<hbm>> -> memref<22528xf32, #tpu.memory_space<hbm>>
        tpu.wait_dma2 semaphore(%run_scoped3A : memref<!tpu.dma_semaphore, #tpu.memory_space<semaphore_mem>>) src(%dma_wait3A_33 : memref<22528xf32, #tpu.memory_space<hbm>>) dst(%arg5 : memref<22528xf32, #tpu.memory_space<vmem>>)
        tpu.yield
      }) : () -> ()
      %scan3A = arith.constant 0 : i32
      %scan3A_23 = arith.constant 0 : i32
      %scan3A_24 = arith.constant 1408 : i32
      %scan3A_25 = arith.addi %scan3A_23, %scan3A_24 : i32
      %scan3A_26 = arith.constant 1 : i32
      scf.for %scan3A_28 = %scan3A_23 to %scan3A_25 step %scan3A_26  : i32 {
        %mul3A_29 = arith.constant 16 : i32
        %mul3A_30 = arith.muli %scan3A_28, %mul3A_29 : i32
        %get3A = arith.index_cast %mul3A_30 : i32 to index
        %get3A_31 = tpu.vector_load %arg6[%get3A] {strides = array<i32>} : memref<22528xi32, #tpu.memory_space<vmem>>, vector<16xi32>,
        %get3A_32 = arith.index_cast %mul3A_30 : i32 to index
        %get3A_33 = tpu.vector_load %arg5[%get3A_32] {strides = array<i32>} : memref<22528xf32, #tpu.memory_space<vmem>>, vector<16xf32>,
        tpu.vector_store_idx %arg7[%get3A_31], %get3A_33 : memref<6016xf32, #tpu.memory_space<vmem>>[vector<16xi32>], vector<16xf32>,
      }
      %scan3A_27 = arith.constant 1408 : i32
      "tpu.region"() ({
        %run_scoped3A = tpu.sem_alloc : memref<!tpu.dma_semaphore, #tpu.memory_space<semaphore_mem>>
        %dma_start3A = arith.constant 0 : i32
        %dma_start3A_28 = tpu.memref_slice %arg4[%dma_start3A] : memref<30080xf32, #tpu.memory_space<hbm>> -> memref<6016xf32, #tpu.memory_space<hbm>>
        %dma_start3A_29 = arith.constant 0 : i32
        %dma_start3A_30 = tpu.memref_slice %arg4[%dma_start3A_29] : memref<30080xf32, #tpu.memory_space<hbm>> -> memref<6016xf32, #tpu.memory_space<hbm>>
        tpu.enqueue_dma source(%arg7 : memref<6016xf32, #tpu.memory_space<vmem>>) target(%dma_start3A_30 : memref<6016xf32, #tpu.memory_space<hbm>>) target_semaphore(%run_scoped3A : memref<!tpu.dma_semaphore, #tpu.memory_space<semaphore_mem>>)
        %dma_wait3A = arith.constant 0 : i32
        %dma_wait3A_31 = tpu.memref_slice %arg4[%dma_wait3A] : memref<30080xf32, #tpu.memory_space<hbm>> -> memref<6016xf32, #tpu.memory_space<hbm>>
        %dma_wait3A_32 = arith.constant 0 : i32
        %dma_wait3A_33 = tpu.memref_slice %arg4[%dma_wait3A_32] : memref<30080xf32, #tpu.memory_space<hbm>> -> memref<6016xf32, #tpu.memory_space<hbm>>
        tpu.wait_dma2 semaphore(%run_scoped3A : memref<!tpu.dma_semaphore, #tpu.memory_space<semaphore_mem>>) src(%arg7 : memref<6016xf32, #tpu.memory_space<vmem>>) dst(%dma_wait3A_33 : memref<6016xf32, #tpu.memory_space<hbm>>)
        tpu.yield
      }) : () -> ()
    } else {
    }
    %eq3A_3 = arith.constant 1 : i32
    %eq3A_4 = arith.cmpi eq, %add3A, %eq3A_3 : i32
    %convert_element_type3A_5 = arith.extui %eq3A_4 : i1 to i32
    %cond3A_6 = arith.constant 0 : i32
    %cond3A_7 = arith.cmpi ne, %convert_element_type3A_5, %cond3A_6 : i32
    scf.if %cond3A_7 {
      "tpu.region"() ({
        %run_scoped3A = tpu.sem_alloc : memref<!tpu.dma_semaphore, #tpu.memory_space<semaphore_mem>>
        tpu.enqueue_dma source(%arg3 : memref<22528xi32, #tpu.memory_space<hbm>>) target(%arg6 : memref<22528xi32, #tpu.memory_space<vmem>>) target_semaphore(%run_scoped3A : memref<!tpu.dma_semaphore, #tpu.memory_space<semaphore_mem>>)
        tpu.wait_dma2 semaphore(%run_scoped3A : memref<!tpu.dma_semaphore, #tpu.memory_space<semaphore_mem>>) src(%arg3 : memref<22528xi32, #tpu.memory_space<hbm>>) dst(%arg6 : memref<22528xi32, #tpu.memory_space<vmem>>)
        tpu.yield
      }) : () -> ()
      "tpu.region"() ({
        %run_scoped3A = tpu.sem_alloc : memref<!tpu.dma_semaphore, #tpu.memory_space<semaphore_mem>>
        %dma_start3A = arith.constant 22528 : i32
        %dma_start3A_28 = tpu.memref_slice %arg2[%dma_start3A] : memref<112640xf32, #tpu.memory_space<hbm>> -> memref<22528xf32, #tpu.memory_space<hbm>>
        %dma_start3A_29 = arith.constant 22528 : i32
        %dma_start3A_30 = tpu.memref_slice %arg2[%dma_start3A_29] : memref<112640xf32, #tpu.memory_space<hbm>> -> memref<22528xf32, #tpu.memory_space<hbm>>
        tpu.enqueue_dma source(%dma_start3A_30 : memref<22528xf32, #tpu.memory_space<hbm>>) target(%arg5 : memref<22528xf32, #tpu.memory_space<vmem>>) target_semaphore(%run_scoped3A : memref<!tpu.dma_semaphore, #tpu.memory_space<semaphore_mem>>)
        %dma_wait3A = arith.constant 22528 : i32
        %dma_wait3A_31 = tpu.memref_slice %arg2[%dma_wait3A] : memref<112640xf32, #tpu.memory_space<hbm>> -> memref<22528xf32, #tpu.memory_space<hbm>>
        %dma_wait3A_32 = arith.constant 22528 : i32
        %dma_wait3A_33 = tpu.memref_slice %arg2[%dma_wait3A_32] : memref<112640xf32, #tpu.memory_space<hbm>> -> memref<22528xf32, #tpu.memory_space<hbm>>
        tpu.wait_dma2 semaphore(%run_scoped3A : memref<!tpu.dma_semaphore, #tpu.memory_space<semaphore_mem>>) src(%dma_wait3A_33 : memref<22528xf32, #tpu.memory_space<hbm>>) dst(%arg5 : memref<22528xf32, #tpu.memory_space<vmem>>)
        tpu.yield
      }) : () -> ()
      %scan3A = arith.constant 0 : i32
      %scan3A_23 = arith.constant 0 : i32
      %scan3A_24 = arith.constant 1408 : i32
      %scan3A_25 = arith.addi %scan3A_23, %scan3A_24 : i32
      %scan3A_26 = arith.constant 1 : i32
      scf.for %scan3A_28 = %scan3A_23 to %scan3A_25 step %scan3A_26  : i32 {
        %mul3A_29 = arith.constant 16 : i32
        %mul3A_30 = arith.muli %scan3A_28, %mul3A_29 : i32
        %get3A = arith.index_cast %mul3A_30 : i32 to index
        %get3A_31 = tpu.vector_load %arg6[%get3A] {strides = array<i32>} : memref<22528xi32, #tpu.memory_space<vmem>>, vector<16xi32>,
        %get3A_32 = arith.index_cast %mul3A_30 : i32 to index
        %get3A_33 = tpu.vector_load %arg5[%get3A_32] {strides = array<i32>} : memref<22528xf32, #tpu.memory_space<vmem>>, vector<16xf32>,
        tpu.vector_store_idx %arg7[%get3A_31], %get3A_33 : memref<6016xf32, #tpu.memory_space<vmem>>[vector<16xi32>], vector<16xf32>,
      }
      %scan3A_27 = arith.constant 1408 : i32
      "tpu.region"() ({
        %run_scoped3A = tpu.sem_alloc : memref<!tpu.dma_semaphore, #tpu.memory_space<semaphore_mem>>
        %dma_start3A = arith.constant 6016 : i32
        %dma_start3A_28 = tpu.memref_slice %arg4[%dma_start3A] : memref<30080xf32, #tpu.memory_space<hbm>> -> memref<6016xf32, #tpu.memory_space<hbm>>
        %dma_start3A_29 = arith.constant 6016 : i32
        %dma_start3A_30 = tpu.memref_slice %arg4[%dma_start3A_29] : memref<30080xf32, #tpu.memory_space<hbm>> -> memref<6016xf32, #tpu.memory_space<hbm>>
        tpu.enqueue_dma source(%arg7 : memref<6016xf32, #tpu.memory_space<vmem>>) target(%dma_start3A_30 : memref<6016xf32, #tpu.memory_space<hbm>>) target_semaphore(%run_scoped3A : memref<!tpu.dma_semaphore, #tpu.memory_space<semaphore_mem>>)
        %dma_wait3A = arith.constant 6016 : i32
        %dma_wait3A_31 = tpu.memref_slice %arg4[%dma_wait3A] : memref<30080xf32, #tpu.memory_space<hbm>> -> memref<6016xf32, #tpu.memory_space<hbm>>
        %dma_wait3A_32 = arith.constant 6016 : i32
        %dma_wait3A_33 = tpu.memref_slice %arg4[%dma_wait3A_32] : memref<30080xf32, #tpu.memory_space<hbm>> -> memref<6016xf32, #tpu.memory_space<hbm>>
        tpu.wait_dma2 semaphore(%run_scoped3A : memref<!tpu.dma_semaphore, #tpu.memory_space<semaphore_mem>>) src(%arg7 : memref<6016xf32, #tpu.memory_space<vmem>>) dst(%dma_wait3A_33 : memref<6016xf32, #tpu.memory_space<hbm>>)
        tpu.yield
      }) : () -> ()
    } else {
    }
    %eq3A_8 = arith.constant 2 : i32
    %eq3A_9 = arith.cmpi eq, %add3A, %eq3A_8 : i32
    %convert_element_type3A_10 = arith.extui %eq3A_9 : i1 to i32
    %cond3A_11 = arith.constant 0 : i32
    %cond3A_12 = arith.cmpi ne, %convert_element_type3A_10, %cond3A_11 : i32
    scf.if %cond3A_12 {
      "tpu.region"() ({
        %run_scoped3A = tpu.sem_alloc : memref<!tpu.dma_semaphore, #tpu.memory_space<semaphore_mem>>
        tpu.enqueue_dma source(%arg3 : memref<22528xi32, #tpu.memory_space<hbm>>) target(%arg6 : memref<22528xi32, #tpu.memory_space<vmem>>) target_semaphore(%run_scoped3A : memref<!tpu.dma_semaphore, #tpu.memory_space<semaphore_mem>>)
        tpu.wait_dma2 semaphore(%run_scoped3A : memref<!tpu.dma_semaphore, #tpu.memory_space<semaphore_mem>>) src(%arg3 : memref<22528xi32, #tpu.memory_space<hbm>>) dst(%arg6 : memref<22528xi32, #tpu.memory_space<vmem>>)
        tpu.yield
      }) : () -> ()
      "tpu.region"() ({
        %run_scoped3A = tpu.sem_alloc : memref<!tpu.dma_semaphore, #tpu.memory_space<semaphore_mem>>
        %dma_start3A = arith.constant 45056 : i32
        %dma_start3A_28 = tpu.memref_slice %arg2[%dma_start3A] : memref<112640xf32, #tpu.memory_space<hbm>> -> memref<22528xf32, #tpu.memory_space<hbm>>
        %dma_start3A_29 = arith.constant 45056 : i32
        %dma_start3A_30 = tpu.memref_slice %arg2[%dma_start3A_29] : memref<112640xf32, #tpu.memory_space<hbm>> -> memref<22528xf32, #tpu.memory_space<hbm>>
        tpu.enqueue_dma source(%dma_start3A_30 : memref<22528xf32, #tpu.memory_space<hbm>>) target(%arg5 : memref<22528xf32, #tpu.memory_space<vmem>>) target_semaphore(%run_scoped3A : memref<!tpu.dma_semaphore, #tpu.memory_space<semaphore_mem>>)
        %dma_wait3A = arith.constant 45056 : i32
        %dma_wait3A_31 = tpu.memref_slice %arg2[%dma_wait3A] : memref<112640xf32, #tpu.memory_space<hbm>> -> memref<22528xf32, #tpu.memory_space<hbm>>
        %dma_wait3A_32 = arith.constant 45056 : i32
        %dma_wait3A_33 = tpu.memref_slice %arg2[%dma_wait3A_32] : memref<112640xf32, #tpu.memory_space<hbm>> -> memref<22528xf32, #tpu.memory_space<hbm>>
        tpu.wait_dma2 semaphore(%run_scoped3A : memref<!tpu.dma_semaphore, #tpu.memory_space<semaphore_mem>>) src(%dma_wait3A_33 : memref<22528xf32, #tpu.memory_space<hbm>>) dst(%arg5 : memref<22528xf32, #tpu.memory_space<vmem>>)
        tpu.yield
      }) : () -> ()
      %scan3A = arith.constant 0 : i32
      %scan3A_23 = arith.constant 0 : i32
      %scan3A_24 = arith.constant 1408 : i32
      %scan3A_25 = arith.addi %scan3A_23, %scan3A_24 : i32
      %scan3A_26 = arith.constant 1 : i32
      scf.for %scan3A_28 = %scan3A_23 to %scan3A_25 step %scan3A_26  : i32 {
        %mul3A_29 = arith.constant 16 : i32
        %mul3A_30 = arith.muli %scan3A_28, %mul3A_29 : i32
        %get3A = arith.index_cast %mul3A_30 : i32 to index
        %get3A_31 = tpu.vector_load %arg6[%get3A] {strides = array<i32>} : memref<22528xi32, #tpu.memory_space<vmem>>, vector<16xi32>,
        %get3A_32 = arith.index_cast %mul3A_30 : i32 to index
        %get3A_33 = tpu.vector_load %arg5[%get3A_32] {strides = array<i32>} : memref<22528xf32, #tpu.memory_space<vmem>>, vector<16xf32>,
        tpu.vector_store_idx %arg7[%get3A_31], %get3A_33 : memref<6016xf32, #tpu.memory_space<vmem>>[vector<16xi32>], vector<16xf32>,
      }
      %scan3A_27 = arith.constant 1408 : i32
      "tpu.region"() ({
        %run_scoped3A = tpu.sem_alloc : memref<!tpu.dma_semaphore, #tpu.memory_space<semaphore_mem>>
        %dma_start3A = arith.constant 12032 : i32
        %dma_start3A_28 = tpu.memref_slice %arg4[%dma_start3A] : memref<30080xf32, #tpu.memory_space<hbm>> -> memref<6016xf32, #tpu.memory_space<hbm>>
        %dma_start3A_29 = arith.constant 12032 : i32
        %dma_start3A_30 = tpu.memref_slice %arg4[%dma_start3A_29] : memref<30080xf32, #tpu.memory_space<hbm>> -> memref<6016xf32, #tpu.memory_space<hbm>>
        tpu.enqueue_dma source(%arg7 : memref<6016xf32, #tpu.memory_space<vmem>>) target(%dma_start3A_30 : memref<6016xf32, #tpu.memory_space<hbm>>) target_semaphore(%run_scoped3A : memref<!tpu.dma_semaphore, #tpu.memory_space<semaphore_mem>>)
        %dma_wait3A = arith.constant 12032 : i32
        %dma_wait3A_31 = tpu.memref_slice %arg4[%dma_wait3A] : memref<30080xf32, #tpu.memory_space<hbm>> -> memref<6016xf32, #tpu.memory_space<hbm>>
        %dma_wait3A_32 = arith.constant 12032 : i32
        %dma_wait3A_33 = tpu.memref_slice %arg4[%dma_wait3A_32] : memref<30080xf32, #tpu.memory_space<hbm>> -> memref<6016xf32, #tpu.memory_space<hbm>>
        tpu.wait_dma2 semaphore(%run_scoped3A : memref<!tpu.dma_semaphore, #tpu.memory_space<semaphore_mem>>) src(%arg7 : memref<6016xf32, #tpu.memory_space<vmem>>) dst(%dma_wait3A_33 : memref<6016xf32, #tpu.memory_space<hbm>>)
        tpu.yield
      }) : () -> ()
    } else {
    }
    %eq3A_13 = arith.constant 3 : i32
    %eq3A_14 = arith.cmpi eq, %add3A, %eq3A_13 : i32
    %convert_element_type3A_15 = arith.extui %eq3A_14 : i1 to i32
    %cond3A_16 = arith.constant 0 : i32
    %cond3A_17 = arith.cmpi ne, %convert_element_type3A_15, %cond3A_16 : i32
    scf.if %cond3A_17 {
      "tpu.region"() ({
        %run_scoped3A = tpu.sem_alloc : memref<!tpu.dma_semaphore, #tpu.memory_space<semaphore_mem>>
        tpu.enqueue_dma source(%arg3 : memref<22528xi32, #tpu.memory_space<hbm>>) target(%arg6 : memref<22528xi32, #tpu.memory_space<vmem>>) target_semaphore(%run_scoped3A : memref<!tpu.dma_semaphore, #tpu.memory_space<semaphore_mem>>)
        tpu.wait_dma2 semaphore(%run_scoped3A : memref<!tpu.dma_semaphore, #tpu.memory_space<semaphore_mem>>) src(%arg3 : memref<22528xi32, #tpu.memory_space<hbm>>) dst(%arg6 : memref<22528xi32, #tpu.memory_space<vmem>>)
        tpu.yield
      }) : () -> ()
      "tpu.region"() ({
        %run_scoped3A = tpu.sem_alloc : memref<!tpu.dma_semaphore, #tpu.memory_space<semaphore_mem>>
        %dma_start3A = arith.constant 67584 : i32
        %dma_start3A_28 = tpu.memref_slice %arg2[%dma_start3A] : memref<112640xf32, #tpu.memory_space<hbm>> -> memref<22528xf32, #tpu.memory_space<hbm>>
        %dma_start3A_29 = arith.constant 67584 : i32
        %dma_start3A_30 = tpu.memref_slice %arg2[%dma_start3A_29] : memref<112640xf32, #tpu.memory_space<hbm>> -> memref<22528xf32, #tpu.memory_space<hbm>>
        tpu.enqueue_dma source(%dma_start3A_30 : memref<22528xf32, #tpu.memory_space<hbm>>) target(%arg5 : memref<22528xf32, #tpu.memory_space<vmem>>) target_semaphore(%run_scoped3A : memref<!tpu.dma_semaphore, #tpu.memory_space<semaphore_mem>>)
        %dma_wait3A = arith.constant 67584 : i32
        %dma_wait3A_31 = tpu.memref_slice %arg2[%dma_wait3A] : memref<112640xf32, #tpu.memory_space<hbm>> -> memref<22528xf32, #tpu.memory_space<hbm>>
        %dma_wait3A_32 = arith.constant 67584 : i32
        %dma_wait3A_33 = tpu.memref_slice %arg2[%dma_wait3A_32] : memref<112640xf32, #tpu.memory_space<hbm>> -> memref<22528xf32, #tpu.memory_space<hbm>>
        tpu.wait_dma2 semaphore(%run_scoped3A : memref<!tpu.dma_semaphore, #tpu.memory_space<semaphore_mem>>) src(%dma_wait3A_33 : memref<22528xf32, #tpu.memory_space<hbm>>) dst(%arg5 : memref<22528xf32, #tpu.memory_space<vmem>>)
        tpu.yield
      }) : () -> ()
      %scan3A = arith.constant 0 : i32
      %scan3A_23 = arith.constant 0 : i32
      %scan3A_24 = arith.constant 1408 : i32
      %scan3A_25 = arith.addi %scan3A_23, %scan3A_24 : i32
      %scan3A_26 = arith.constant 1 : i32
      scf.for %scan3A_28 = %scan3A_23 to %scan3A_25 step %scan3A_26  : i32 {
        %mul3A_29 = arith.constant 16 : i32
        %mul3A_30 = arith.muli %scan3A_28, %mul3A_29 : i32
        %get3A = arith.index_cast %mul3A_30 : i32 to index
        %get3A_31 = tpu.vector_load %arg6[%get3A] {strides = array<i32>} : memref<22528xi32, #tpu.memory_space<vmem>>, vector<16xi32>,
        %get3A_32 = arith.index_cast %mul3A_30 : i32 to index
        %get3A_33 = tpu.vector_load %arg5[%get3A_32] {strides = array<i32>} : memref<22528xf32, #tpu.memory_space<vmem>>, vector<16xf32>,
        tpu.vector_store_idx %arg7[%get3A_31], %get3A_33 : memref<6016xf32, #tpu.memory_space<vmem>>[vector<16xi32>], vector<16xf32>,
      }
      %scan3A_27 = arith.constant 1408 : i32
      "tpu.region"() ({
        %run_scoped3A = tpu.sem_alloc : memref<!tpu.dma_semaphore, #tpu.memory_space<semaphore_mem>>
        %dma_start3A = arith.constant 18048 : i32
        %dma_start3A_28 = tpu.memref_slice %arg4[%dma_start3A] : memref<30080xf32, #tpu.memory_space<hbm>> -> memref<6016xf32, #tpu.memory_space<hbm>>
        %dma_start3A_29 = arith.constant 18048 : i32
        %dma_start3A_30 = tpu.memref_slice %arg4[%dma_start3A_29] : memref<30080xf32, #tpu.memory_space<hbm>> -> memref<6016xf32, #tpu.memory_space<hbm>>
        tpu.enqueue_dma source(%arg7 : memref<6016xf32, #tpu.memory_space<vmem>>) target(%dma_start3A_30 : memref<6016xf32, #tpu.memory_space<hbm>>) target_semaphore(%run_scoped3A : memref<!tpu.dma_semaphore, #tpu.memory_space<semaphore_mem>>)
        %dma_wait3A = arith.constant 18048 : i32
        %dma_wait3A_31 = tpu.memref_slice %arg4[%dma_wait3A] : memref<30080xf32, #tpu.memory_space<hbm>> -> memref<6016xf32, #tpu.memory_space<hbm>>
        %dma_wait3A_32 = arith.constant 18048 : i32
        %dma_wait3A_33 = tpu.memref_slice %arg4[%dma_wait3A_32] : memref<30080xf32, #tpu.memory_space<hbm>> -> memref<6016xf32, #tpu.memory_space<hbm>>
        tpu.wait_dma2 semaphore(%run_scoped3A : memref<!tpu.dma_semaphore, #tpu.memory_space<semaphore_mem>>) src(%arg7 : memref<6016xf32, #tpu.memory_space<vmem>>) dst(%dma_wait3A_33 : memref<6016xf32, #tpu.memory_space<hbm>>)
        tpu.yield
      }) : () -> ()
    } else {
    }
    %eq3A_18 = arith.constant 4 : i32
    %eq3A_19 = arith.cmpi eq, %add3A, %eq3A_18 : i32
    %convert_element_type3A_20 = arith.extui %eq3A_19 : i1 to i32
    %cond3A_21 = arith.constant 0 : i32
    %cond3A_22 = arith.cmpi ne, %convert_element_type3A_20, %cond3A_21 : i32
    scf.if %cond3A_22 {
      "tpu.region"() ({
        %run_scoped3A = tpu.sem_alloc : memref<!tpu.dma_semaphore, #tpu.memory_space<semaphore_mem>>
        tpu.enqueue_dma source(%arg3 : memref<22528xi32, #tpu.memory_space<hbm>>) target(%arg6 : memref<22528xi32, #tpu.memory_space<vmem>>) target_semaphore(%run_scoped3A : memref<!tpu.dma_semaphore, #tpu.memory_space<semaphore_mem>>)
        tpu.wait_dma2 semaphore(%run_scoped3A : memref<!tpu.dma_semaphore, #tpu.memory_space<semaphore_mem>>) src(%arg3 : memref<22528xi32, #tpu.memory_space<hbm>>) dst(%arg6 : memref<22528xi32, #tpu.memory_space<vmem>>)
        tpu.yield
      }) : () -> ()
      "tpu.region"() ({
        %run_scoped3A = tpu.sem_alloc : memref<!tpu.dma_semaphore, #tpu.memory_space<semaphore_mem>>
        %dma_start3A = arith.constant 90112 : i32
        %dma_start3A_28 = tpu.memref_slice %arg2[%dma_start3A] : memref<112640xf32, #tpu.memory_space<hbm>> -> memref<22528xf32, #tpu.memory_space<hbm>>
        %dma_start3A_29 = arith.constant 90112 : i32
        %dma_start3A_30 = tpu.memref_slice %arg2[%dma_start3A_29] : memref<112640xf32, #tpu.memory_space<hbm>> -> memref<22528xf32, #tpu.memory_space<hbm>>
        tpu.enqueue_dma source(%dma_start3A_30 : memref<22528xf32, #tpu.memory_space<hbm>>) target(%arg5 : memref<22528xf32, #tpu.memory_space<vmem>>) target_semaphore(%run_scoped3A : memref<!tpu.dma_semaphore, #tpu.memory_space<semaphore_mem>>)
        %dma_wait3A = arith.constant 90112 : i32
        %dma_wait3A_31 = tpu.memref_slice %arg2[%dma_wait3A] : memref<112640xf32, #tpu.memory_space<hbm>> -> memref<22528xf32, #tpu.memory_space<hbm>>
        %dma_wait3A_32 = arith.constant 90112 : i32
        %dma_wait3A_33 = tpu.memref_slice %arg2[%dma_wait3A_32] : memref<112640xf32, #tpu.memory_space<hbm>> -> memref<22528xf32, #tpu.memory_space<hbm>>
        tpu.wait_dma2 semaphore(%run_scoped3A : memref<!tpu.dma_semaphore, #tpu.memory_space<semaphore_mem>>) src(%dma_wait3A_33 : memref<22528xf32, #tpu.memory_space<hbm>>) dst(%arg5 : memref<22528xf32, #tpu.memory_space<vmem>>)
        tpu.yield
      }) : () -> ()
      %scan3A = arith.constant 0 : i32
      %scan3A_23 = arith.constant 0 : i32
      %scan3A_24 = arith.constant 1408 : i32
      %scan3A_25 = arith.addi %scan3A_23, %scan3A_24 : i32
      %scan3A_26 = arith.constant 1 : i32
      scf.for %scan3A_28 = %scan3A_23 to %scan3A_25 step %scan3A_26  : i32 {
        %mul3A_29 = arith.constant 16 : i32
        %mul3A_30 = arith.muli %scan3A_28, %mul3A_29 : i32
        %get3A = arith.index_cast %mul3A_30 : i32 to index
        %get3A_31 = tpu.vector_load %arg6[%get3A] {strides = array<i32>} : memref<22528xi32, #tpu.memory_space<vmem>>, vector<16xi32>,
        %get3A_32 = arith.index_cast %mul3A_30 : i32 to index
        %get3A_33 = tpu.vector_load %arg5[%get3A_32] {strides = array<i32>} : memref<22528xf32, #tpu.memory_space<vmem>>, vector<16xf32>,
        tpu.vector_store_idx %arg7[%get3A_31], %get3A_33 : memref<6016xf32, #tpu.memory_space<vmem>>[vector<16xi32>], vector<16xf32>,
      }
      %scan3A_27 = arith.constant 1408 : i32
      "tpu.region"() ({
        %run_scoped3A = tpu.sem_alloc : memref<!tpu.dma_semaphore, #tpu.memory_space<semaphore_mem>>
        %dma_start3A = arith.constant 24064 : i32
        %dma_start3A_28 = tpu.memref_slice %arg4[%dma_start3A] : memref<30080xf32, #tpu.memory_space<hbm>> -> memref<6016xf32, #tpu.memory_space<hbm>>
        %dma_start3A_29 = arith.constant 24064 : i32
        %dma_start3A_30 = tpu.memref_slice %arg4[%dma_start3A_29] : memref<30080xf32, #tpu.memory_space<hbm>> -> memref<6016xf32, #tpu.memory_space<hbm>>
        tpu.enqueue_dma source(%arg7 : memref<6016xf32, #tpu.memory_space<vmem>>) target(%dma_start3A_30 : memref<6016xf32, #tpu.memory_space<hbm>>) target_semaphore(%run_scoped3A : memref<!tpu.dma_semaphore, #tpu.memory_space<semaphore_mem>>)
        %dma_wait3A = arith.constant 24064 : i32
        %dma_wait3A_31 = tpu.memref_slice %arg4[%dma_wait3A] : memref<30080xf32, #tpu.memory_space<hbm>> -> memref<6016xf32, #tpu.memory_space<hbm>>
        %dma_wait3A_32 = arith.constant 24064 : i32
        %dma_wait3A_33 = tpu.memref_slice %arg4[%dma_wait3A_32] : memref<30080xf32, #tpu.memory_space<hbm>> -> memref<6016xf32, #tpu.memory_space<hbm>>
        tpu.wait_dma2 semaphore(%run_scoped3A : memref<!tpu.dma_semaphore, #tpu.memory_space<semaphore_mem>>) src(%arg7 : memref<6016xf32, #tpu.memory_space<vmem>>) dst(%dma_wait3A_33 : memref<6016xf32, #tpu.memory_space<hbm>>)
        tpu.yield
      }) : () -> ()
    } else {
    }
    return
  }
}

module attributes {stable_mosaic.version = 14 : i64} {
  func.func @_trunk_body(%arg0: memref<512x2500xf32, #tpu.memory_space<vmem>>, %arg1: memref<512x4608xf32, #tpu.memory_space<vmem>>, %arg2: memref<54x512xf32, #tpu.memory_space<vmem>>, %arg3: memref<54x1xf32, #tpu.memory_space<vmem>>, %arg4: memref<512x1xf32, #tpu.memory_space<vmem>>, %arg5: memref<4x9x2500xf32, #tpu.memory_space<vmem>>, %arg6: memref<1x1xf32, #tpu.memory_space<vmem>>, %arg7: memref<36x2500xf32, #tpu.memory_space<vmem>>, %arg8: memref<18x2500xf32, #tpu.memory_space<vmem>>, %arg9: memref<5x9x2500xf32, #tpu.memory_space<vmem>>, %arg10: memref<9x2500xi32, #tpu.memory_space<vmem>>) attributes {dimension_semantics = [], scalar_prefetch = 0 : i64, scratch_operands = 0 : i64, tpu.core_type = #tpu.core_type<tc>} {
    %iota3A = tpu.iota {dimensions = array<i32: 1>} : vector<1x2500xi32>
    %jit3A = arith.constant 50 : i32
    %eq3A = arith.constant 0 : i32
    %eq3A_0 = arith.cmpi eq, %jit3A, %eq3A : i32
    %jit3A_1 = arith.constant 1 : i32
    %select_n3A = arith.select %eq3A_0, %jit3A_1, %jit3A : i32
    %rem3A = vector.broadcast %select_n3A : i32 to vector<1x2500xi32>
    %rem3A_2 = arith.remsi %iota3A, %rem3A : vector<1x2500xi32>
    %ne3A = arith.constant 0 : i32
    %ne3A_3 = vector.broadcast %ne3A : i32 to vector<1x2500xi32>
    %ne3A_4 = arith.cmpi ne, %rem3A_2, %ne3A_3 : vector<1x2500xi32>
    %lt3A = arith.constant 0 : i32
    %lt3A_5 = vector.broadcast %lt3A : i32 to vector<1x2500xi32>
    %lt3A_6 = arith.cmpi slt, %rem3A_2, %lt3A_5 : vector<1x2500xi32>
    %lt3A_7 = arith.constant 0 : i32
    %lt3A_8 = arith.cmpi slt, %select_n3A, %lt3A_7 : i32
    %ne3A_9 = vector.broadcast %lt3A_8 : i1 to vector<1x2500xi1>
    %ne3A_10 = vector.broadcast %ne3A_9 : vector<1x2500xi1> to vector<1x2500xi1>
    %ne3A_11 = arith.xori %lt3A_6, %ne3A_10 : vector<1x2500xi1>
    %and3A = arith.andi %ne3A_11, %ne3A_4 : vector<1x2500xi1>
    %add3A = vector.broadcast %select_n3A : i32 to vector<1x2500xi32>
    %add3A_12 = arith.addi %rem3A_2, %add3A : vector<1x2500xi32>
    %select_n3A_13 = arith.select %and3A, %add3A_12, %rem3A_2 : vector<1x2500xi1>, vector<1x2500xi32>
    %broadcast_in_dim3A = arith.constant 0.000000e+00 : f32
    %broadcast_in_dim3A_14 = vector.broadcast %broadcast_in_dim3A : f32 to vector<512x51xf32>
    %get3A = arith.constant 0 : index
    %get3A_15 = arith.constant 0 : index
    %get3A_16 = vector.load %arg0[%get3A, %get3A_15] : memref<512x2500xf32, #tpu.memory_space<vmem>>, vector<512x2449xf32>
    %concatenate3A = tpu.concatenate %broadcast_in_dim3A_14, %get3A_16 in 1 : vector<512x51xf32>, vector<512x2449xf32> -> vector<512x2500xf32>
    %ne3A_17 = arith.constant 0 : i32
    %ne3A_18 = vector.broadcast %ne3A_17 : i32 to vector<1x2500xi32>
    %ne3A_19 = arith.cmpi ne, %select_n3A_13, %ne3A_18 : vector<1x2500xi32>
    %jit3A_20 = arith.constant 0.000000e+00 : f32
    %broadcast_in_dim3A_21 = vector.shape_cast %ne3A_19 : vector<1x2500xi1> to vector<1x2500xi1>
    %broadcast_in_dim3A_22 = vector.broadcast %broadcast_in_dim3A_21 : vector<1x2500xi1> to vector<512x2500xi1>
    %broadcast_in_dim3A_23 = vector.broadcast %jit3A_20 : f32 to vector<512x2500xf32>
    %select_n3A_24 = arith.select %broadcast_in_dim3A_22, %concatenate3A, %broadcast_in_dim3A_23 : vector<512x2500xi1>, vector<512x2500xf32>
    %broadcast_in_dim3A_25 = arith.constant 0.000000e+00 : f32
    %broadcast_in_dim3A_26 = vector.broadcast %broadcast_in_dim3A_25 : f32 to vector<512x50xf32>
    %get3A_27 = arith.constant 0 : index
    %get3A_28 = arith.constant 0 : index
    %get3A_29 = vector.load %arg0[%get3A_27, %get3A_28] : memref<512x2500xf32, #tpu.memory_space<vmem>>, vector<512x2450xf32>
    %concatenate3A_30 = tpu.concatenate %broadcast_in_dim3A_26, %get3A_29 in 1 : vector<512x50xf32>, vector<512x2450xf32> -> vector<512x2500xf32>
    %broadcast_in_dim3A_31 = arith.constant 0.000000e+00 : f32
    %broadcast_in_dim3A_32 = vector.broadcast %broadcast_in_dim3A_31 : f32 to vector<512x49xf32>
    %get3A_33 = arith.constant 0 : index
    %get3A_34 = arith.constant 0 : index
    %get3A_35 = vector.load %arg0[%get3A_33, %get3A_34] : memref<512x2500xf32, #tpu.memory_space<vmem>>, vector<512x2451xf32>
    %concatenate3A_36 = tpu.concatenate %broadcast_in_dim3A_32, %get3A_35 in 1 : vector<512x49xf32>, vector<512x2451xf32> -> vector<512x2500xf32>
    %ne3A_37 = arith.constant 49 : i32
    %ne3A_38 = vector.broadcast %ne3A_37 : i32 to vector<1x2500xi32>
    %ne3A_39 = arith.cmpi ne, %select_n3A_13, %ne3A_38 : vector<1x2500xi32>
    %jit3A_40 = arith.constant 0.000000e+00 : f32
    %broadcast_in_dim3A_41 = vector.shape_cast %ne3A_39 : vector<1x2500xi1> to vector<1x2500xi1>
    %broadcast_in_dim3A_42 = vector.broadcast %broadcast_in_dim3A_41 : vector<1x2500xi1> to vector<512x2500xi1>
    %broadcast_in_dim3A_43 = vector.broadcast %jit3A_40 : f32 to vector<512x2500xf32>
    %select_n3A_44 = arith.select %broadcast_in_dim3A_42, %concatenate3A_36, %broadcast_in_dim3A_43 : vector<512x2500xi1>, vector<512x2500xf32>
    %broadcast_in_dim3A_45 = arith.constant 0.000000e+00 : f32
    %broadcast_in_dim3A_46 = vector.broadcast %broadcast_in_dim3A_45 : f32 to vector<512x1xf32>
    %get3A_47 = arith.constant 0 : index
    %get3A_48 = arith.constant 0 : index
    %get3A_49 = vector.load %arg0[%get3A_47, %get3A_48] : memref<512x2500xf32, #tpu.memory_space<vmem>>, vector<512x2499xf32>
    %concatenate3A_50 = tpu.concatenate %broadcast_in_dim3A_46, %get3A_49 in 1 : vector<512x1xf32>, vector<512x2499xf32> -> vector<512x2500xf32>
    %ne3A_51 = arith.constant 0 : i32
    %ne3A_52 = vector.broadcast %ne3A_51 : i32 to vector<1x2500xi32>
    %ne3A_53 = arith.cmpi ne, %select_n3A_13, %ne3A_52 : vector<1x2500xi32>
    %jit3A_54 = arith.constant 0.000000e+00 : f32
    %broadcast_in_dim3A_55 = vector.shape_cast %ne3A_53 : vector<1x2500xi1> to vector<1x2500xi1>
    %broadcast_in_dim3A_56 = vector.broadcast %broadcast_in_dim3A_55 : vector<1x2500xi1> to vector<512x2500xi1>
    %broadcast_in_dim3A_57 = vector.broadcast %jit3A_54 : f32 to vector<512x2500xf32>
    %select_n3A_58 = arith.select %broadcast_in_dim3A_56, %concatenate3A_50, %broadcast_in_dim3A_57 : vector<512x2500xi1>, vector<512x2500xf32>
    %get3A_59 = arith.constant 0 : index
    %get3A_60 = arith.constant 0 : index
    %get3A_61 = vector.load %arg0[%get3A_59, %get3A_60] : memref<512x2500xf32, #tpu.memory_space<vmem>>, vector<512x2500xf32>
    %get3A_62 = arith.constant 0 : index
    %get3A_63 = arith.constant 1 : index
    %get3A_64 = vector.load %arg0[%get3A_62, %get3A_63] : memref<512x2500xf32, #tpu.memory_space<vmem>>, vector<512x2499xf32>
    %broadcast_in_dim3A_65 = arith.constant 0.000000e+00 : f32
    %broadcast_in_dim3A_66 = vector.broadcast %broadcast_in_dim3A_65 : f32 to vector<512x1xf32>
    %concatenate3A_67 = tpu.concatenate %get3A_64, %broadcast_in_dim3A_66 in 1 : vector<512x2499xf32>, vector<512x1xf32> -> vector<512x2500xf32>
    %ne3A_68 = arith.constant 49 : i32
    %ne3A_69 = vector.broadcast %ne3A_68 : i32 to vector<1x2500xi32>
    %ne3A_70 = arith.cmpi ne, %select_n3A_13, %ne3A_69 : vector<1x2500xi32>
    %jit3A_71 = arith.constant 0.000000e+00 : f32
    %broadcast_in_dim3A_72 = vector.shape_cast %ne3A_70 : vector<1x2500xi1> to vector<1x2500xi1>
    %broadcast_in_dim3A_73 = vector.broadcast %broadcast_in_dim3A_72 : vector<1x2500xi1> to vector<512x2500xi1>
    %broadcast_in_dim3A_74 = vector.broadcast %jit3A_71 : f32 to vector<512x2500xf32>
    %select_n3A_75 = arith.select %broadcast_in_dim3A_73, %concatenate3A_67, %broadcast_in_dim3A_74 : vector<512x2500xi1>, vector<512x2500xf32>
    %get3A_76 = arith.constant 0 : index
    %get3A_77 = arith.constant 49 : index
    %get3A_78 = vector.load %arg0[%get3A_76, %get3A_77] : memref<512x2500xf32, #tpu.memory_space<vmem>>, vector<512x2451xf32>
    %broadcast_in_dim3A_79 = arith.constant 0.000000e+00 : f32
    %broadcast_in_dim3A_80 = vector.broadcast %broadcast_in_dim3A_79 : f32 to vector<512x49xf32>
    %concatenate3A_81 = tpu.concatenate %get3A_78, %broadcast_in_dim3A_80 in 1 : vector<512x2451xf32>, vector<512x49xf32> -> vector<512x2500xf32>
    %ne3A_82 = arith.constant 0 : i32
    %ne3A_83 = vector.broadcast %ne3A_82 : i32 to vector<1x2500xi32>
    %ne3A_84 = arith.cmpi ne, %select_n3A_13, %ne3A_83 : vector<1x2500xi32>
    %jit3A_85 = arith.constant 0.000000e+00 : f32
    %broadcast_in_dim3A_86 = vector.shape_cast %ne3A_84 : vector<1x2500xi1> to vector<1x2500xi1>
    %broadcast_in_dim3A_87 = vector.broadcast %broadcast_in_dim3A_86 : vector<1x2500xi1> to vector<512x2500xi1>
    %broadcast_in_dim3A_88 = vector.broadcast %jit3A_85 : f32 to vector<512x2500xf32>
    %select_n3A_89 = arith.select %broadcast_in_dim3A_87, %concatenate3A_81, %broadcast_in_dim3A_88 : vector<512x2500xi1>, vector<512x2500xf32>
    %get3A_90 = arith.constant 0 : index
    %get3A_91 = arith.constant 50 : index
    %get3A_92 = vector.load %arg0[%get3A_90, %get3A_91] : memref<512x2500xf32, #tpu.memory_space<vmem>>, vector<512x2450xf32>
    %broadcast_in_dim3A_93 = arith.constant 0.000000e+00 : f32
    %broadcast_in_dim3A_94 = vector.broadcast %broadcast_in_dim3A_93 : f32 to vector<512x50xf32>
    %concatenate3A_95 = tpu.concatenate %get3A_92, %broadcast_in_dim3A_94 in 1 : vector<512x2450xf32>, vector<512x50xf32> -> vector<512x2500xf32>
    %get3A_96 = arith.constant 0 : index
    %get3A_97 = arith.constant 51 : index
    %get3A_98 = vector.load %arg0[%get3A_96, %get3A_97] : memref<512x2500xf32, #tpu.memory_space<vmem>>, vector<512x2449xf32>
    %broadcast_in_dim3A_99 = arith.constant 0.000000e+00 : f32
    %broadcast_in_dim3A_100 = vector.broadcast %broadcast_in_dim3A_99 : f32 to vector<512x51xf32>
    %concatenate3A_101 = tpu.concatenate %get3A_98, %broadcast_in_dim3A_100 in 1 : vector<512x2449xf32>, vector<512x51xf32> -> vector<512x2500xf32>
    %ne3A_102 = arith.constant 49 : i32
    %ne3A_103 = vector.broadcast %ne3A_102 : i32 to vector<1x2500xi32>
    %ne3A_104 = arith.cmpi ne, %select_n3A_13, %ne3A_103 : vector<1x2500xi32>
    %jit3A_105 = arith.constant 0.000000e+00 : f32
    %broadcast_in_dim3A_106 = vector.shape_cast %ne3A_104 : vector<1x2500xi1> to vector<1x2500xi1>
    %broadcast_in_dim3A_107 = vector.broadcast %broadcast_in_dim3A_106 : vector<1x2500xi1> to vector<512x2500xi1>
    %broadcast_in_dim3A_108 = vector.broadcast %jit3A_105 : f32 to vector<512x2500xf32>
    %select_n3A_109 = arith.select %broadcast_in_dim3A_107, %concatenate3A_101, %broadcast_in_dim3A_108 : vector<512x2500xi1>, vector<512x2500xf32>
    %concatenate3A_110 = tpu.concatenate %select_n3A_24, %concatenate3A_30, %select_n3A_44, %select_n3A_58, %get3A_61, %select_n3A_75, %select_n3A_89, %concatenate3A_95, %select_n3A_109 in 0 : vector<512x2500xf32>, vector<512x2500xf32>, vector<512x2500xf32>, vector<512x2500xf32>, vector<512x2500xf32>, vector<512x2500xf32>, vector<512x2500xf32>, vector<512x2500xf32>, vector<512x2500xf32> -> vector<4608x2500xf32>
    %get3A_111 = arith.constant 0 : index
    %get3A_112 = arith.constant 0 : index
    %get3A_113 = vector.load %arg1[%get3A_111, %get3A_112] : memref<512x4608xf32, #tpu.memory_space<vmem>>, vector<512x4608xf32>
    %dot_general3A = arith.constant dense<0.000000e+00> : vector<512x2500xf32>
    %dot_general3A_114 = tpu.matmul %get3A_113, %concatenate3A_110, %dot_general3A {dimension_numbers = #tpu.dot_dimension_numbers<[1], [0], [0], [1], [0, 0, 1, 1], [], []>, transpose_lhs_hint = false} : vector<512x4608xf32>, vector<4608x2500xf32>, vector<512x2500xf32> -> vector<512x2500xf32>
    %get3A_115 = arith.constant 0 : index
    %get3A_116 = arith.constant 0 : index
    %get3A_117 = vector.load %arg4[%get3A_115, %get3A_116] : memref<512x1xf32, #tpu.memory_space<vmem>>, vector<512x1xf32>
    %add3A_118 = vector.broadcast %get3A_117 : vector<512x1xf32> to vector<512x2500xf32>
    %add3A_119 = arith.addf %dot_general3A_114, %add3A_118 : vector<512x2500xf32>
    %max3A = arith.constant 0.000000e+00 : f32
    %max3A_120 = vector.broadcast %max3A : f32 to vector<512x2500xf32>
    %max3A_121 = arith.maximumf %add3A_119, %max3A_120 : vector<512x2500xf32>
    %get3A_122 = arith.constant 0 : index
    %get3A_123 = arith.constant 0 : index
    %get3A_124 = vector.load %arg2[%get3A_122, %get3A_123] : memref<54x512xf32, #tpu.memory_space<vmem>>, vector<54x512xf32>
    %dot_general3A_125 = arith.constant dense<0.000000e+00> : vector<54x2500xf32>
    %dot_general3A_126 = tpu.matmul %get3A_124, %max3A_121, %dot_general3A_125 {dimension_numbers = #tpu.dot_dimension_numbers<[1], [0], [0], [1], [0, 0, 1, 1], [], []>, transpose_lhs_hint = false} : vector<54x512xf32>, vector<512x2500xf32>, vector<54x2500xf32> -> vector<54x2500xf32>
    %get3A_127 = arith.constant 0 : index
    %get3A_128 = arith.constant 0 : index
    %get3A_129 = vector.load %arg3[%get3A_127, %get3A_128] : memref<54x1xf32, #tpu.memory_space<vmem>>, vector<54x1xf32>
    %add3A_130 = vector.broadcast %get3A_129 : vector<54x1xf32> to vector<54x2500xf32>
    %add3A_131 = arith.addf %dot_general3A_126, %add3A_130 : vector<54x2500xf32>
    %slice3A = vector.extract_strided_slice %add3A_131 {offsets = [0, 0], sizes = [18, 2500], strides = [1, 1]} : vector<54x2500xf32> to vector<18x2500xf32>
    %swap3A = arith.constant 0 : index
    %swap3A_132 = arith.constant 0 : index
    %swap3A_133 = vector.load %arg8[%swap3A, %swap3A_132] : memref<18x2500xf32, #tpu.memory_space<vmem>>, vector<18x2500xf32>
    tpu.vector_store %arg8[%swap3A, %swap3A_132], %slice3A {strides = array<i32>} : memref<18x2500xf32, #tpu.memory_space<vmem>>, vector<18x2500xf32>,
    %slice3A_134 = vector.extract_strided_slice %add3A_131 {offsets = [18, 0], sizes = [36, 2500], strides = [1, 1]} : vector<54x2500xf32> to vector<36x2500xf32>
    %swap3A_135 = arith.constant 0 : index
    %swap3A_136 = arith.constant 0 : index
    %swap3A_137 = vector.load %arg7[%swap3A_135, %swap3A_136] : memref<36x2500xf32, #tpu.memory_space<vmem>>, vector<36x2500xf32>
    tpu.vector_store %arg7[%swap3A_135, %swap3A_136], %slice3A_134 {strides = array<i32>} : memref<36x2500xf32, #tpu.memory_space<vmem>>, vector<36x2500xf32>,
    %slice3A_138 = vector.extract_strided_slice %add3A_131 {offsets = [1, 0], sizes = [1, 2500], strides = [1, 1]} : vector<54x2500xf32> to vector<1x2500xf32>
    %slice3A_139 = vector.extract_strided_slice %add3A_131 {offsets = [0, 0], sizes = [1, 2500], strides = [1, 1]} : vector<54x2500xf32> to vector<1x2500xf32>
    %sub3A = arith.subf %slice3A_138, %slice3A_139 : vector<1x2500xf32>
    %logistic3A = arith.negf %sub3A : vector<1x2500xf32>
    %logistic3A_140 = math.exp %logistic3A : vector<1x2500xf32>
    %logistic3A_141 = arith.constant 1.000000e+00 : f32
    %logistic3A_142 = vector.broadcast %logistic3A_141 : f32 to vector<1x2500xf32>
    %logistic3A_143 = arith.addf %logistic3A_142, %logistic3A_140 : vector<1x2500xf32>
    %logistic3A_144 = arith.divf %logistic3A_142, %logistic3A_143 : vector<1x2500xf32>
    %slice3A_145 = vector.extract_strided_slice %add3A_131 {offsets = [3, 0], sizes = [1, 2500], strides = [1, 1]} : vector<54x2500xf32> to vector<1x2500xf32>
    %slice3A_146 = vector.extract_strided_slice %add3A_131 {offsets = [2, 0], sizes = [1, 2500], strides = [1, 1]} : vector<54x2500xf32> to vector<1x2500xf32>
    %sub3A_147 = arith.subf %slice3A_145, %slice3A_146 : vector<1x2500xf32>
    %logistic3A_148 = arith.negf %sub3A_147 : vector<1x2500xf32>
    %logistic3A_149 = math.exp %logistic3A_148 : vector<1x2500xf32>
    %logistic3A_150 = arith.constant 1.000000e+00 : f32
    %logistic3A_151 = vector.broadcast %logistic3A_150 : f32 to vector<1x2500xf32>
    %logistic3A_152 = arith.addf %logistic3A_151, %logistic3A_149 : vector<1x2500xf32>
    %logistic3A_153 = arith.divf %logistic3A_151, %logistic3A_152 : vector<1x2500xf32>
    %slice3A_154 = vector.extract_strided_slice %add3A_131 {offsets = [5, 0], sizes = [1, 2500], strides = [1, 1]} : vector<54x2500xf32> to vector<1x2500xf32>
    %slice3A_155 = vector.extract_strided_slice %add3A_131 {offsets = [4, 0], sizes = [1, 2500], strides = [1, 1]} : vector<54x2500xf32> to vector<1x2500xf32>
    %sub3A_156 = arith.subf %slice3A_154, %slice3A_155 : vector<1x2500xf32>
    %logistic3A_157 = arith.negf %sub3A_156 : vector<1x2500xf32>
    %logistic3A_158 = math.exp %logistic3A_157 : vector<1x2500xf32>
    %logistic3A_159 = arith.constant 1.000000e+00 : f32
    %logistic3A_160 = vector.broadcast %logistic3A_159 : f32 to vector<1x2500xf32>
    %logistic3A_161 = arith.addf %logistic3A_160, %logistic3A_158 : vector<1x2500xf32>
    %logistic3A_162 = arith.divf %logistic3A_160, %logistic3A_161 : vector<1x2500xf32>
    %slice3A_163 = vector.extract_strided_slice %add3A_131 {offsets = [7, 0], sizes = [1, 2500], strides = [1, 1]} : vector<54x2500xf32> to vector<1x2500xf32>
    %slice3A_164 = vector.extract_strided_slice %add3A_131 {offsets = [6, 0], sizes = [1, 2500], strides = [1, 1]} : vector<54x2500xf32> to vector<1x2500xf32>
    %sub3A_165 = arith.subf %slice3A_163, %slice3A_164 : vector<1x2500xf32>
    %logistic3A_166 = arith.negf %sub3A_165 : vector<1x2500xf32>
    %logistic3A_167 = math.exp %logistic3A_166 : vector<1x2500xf32>
    %logistic3A_168 = arith.constant 1.000000e+00 : f32
    %logistic3A_169 = vector.broadcast %logistic3A_168 : f32 to vector<1x2500xf32>
    %logistic3A_170 = arith.addf %logistic3A_169, %logistic3A_167 : vector<1x2500xf32>
    %logistic3A_171 = arith.divf %logistic3A_169, %logistic3A_170 : vector<1x2500xf32>
    %slice3A_172 = vector.extract_strided_slice %add3A_131 {offsets = [9, 0], sizes = [1, 2500], strides = [1, 1]} : vector<54x2500xf32> to vector<1x2500xf32>
    %slice3A_173 = vector.extract_strided_slice %add3A_131 {offsets = [8, 0], sizes = [1, 2500], strides = [1, 1]} : vector<54x2500xf32> to vector<1x2500xf32>
    %sub3A_174 = arith.subf %slice3A_172, %slice3A_173 : vector<1x2500xf32>
    %logistic3A_175 = arith.negf %sub3A_174 : vector<1x2500xf32>
    %logistic3A_176 = math.exp %logistic3A_175 : vector<1x2500xf32>
    %logistic3A_177 = arith.constant 1.000000e+00 : f32
    %logistic3A_178 = vector.broadcast %logistic3A_177 : f32 to vector<1x2500xf32>
    %logistic3A_179 = arith.addf %logistic3A_178, %logistic3A_176 : vector<1x2500xf32>
    %logistic3A_180 = arith.divf %logistic3A_178, %logistic3A_179 : vector<1x2500xf32>
    %slice3A_181 = vector.extract_strided_slice %add3A_131 {offsets = [11, 0], sizes = [1, 2500], strides = [1, 1]} : vector<54x2500xf32> to vector<1x2500xf32>
    %slice3A_182 = vector.extract_strided_slice %add3A_131 {offsets = [10, 0], sizes = [1, 2500], strides = [1, 1]} : vector<54x2500xf32> to vector<1x2500xf32>
    %sub3A_183 = arith.subf %slice3A_181, %slice3A_182 : vector<1x2500xf32>
    %logistic3A_184 = arith.negf %sub3A_183 : vector<1x2500xf32>
    %logistic3A_185 = math.exp %logistic3A_184 : vector<1x2500xf32>
    %logistic3A_186 = arith.constant 1.000000e+00 : f32
    %logistic3A_187 = vector.broadcast %logistic3A_186 : f32 to vector<1x2500xf32>
    %logistic3A_188 = arith.addf %logistic3A_187, %logistic3A_185 : vector<1x2500xf32>
    %logistic3A_189 = arith.divf %logistic3A_187, %logistic3A_188 : vector<1x2500xf32>
    %slice3A_190 = vector.extract_strided_slice %add3A_131 {offsets = [13, 0], sizes = [1, 2500], strides = [1, 1]} : vector<54x2500xf32> to vector<1x2500xf32>
    %slice3A_191 = vector.extract_strided_slice %add3A_131 {offsets = [12, 0], sizes = [1, 2500], strides = [1, 1]} : vector<54x2500xf32> to vector<1x2500xf32>
    %sub3A_192 = arith.subf %slice3A_190, %slice3A_191 : vector<1x2500xf32>
    %logistic3A_193 = arith.negf %sub3A_192 : vector<1x2500xf32>
    %logistic3A_194 = math.exp %logistic3A_193 : vector<1x2500xf32>
    %logistic3A_195 = arith.constant 1.000000e+00 : f32
    %logistic3A_196 = vector.broadcast %logistic3A_195 : f32 to vector<1x2500xf32>
    %logistic3A_197 = arith.addf %logistic3A_196, %logistic3A_194 : vector<1x2500xf32>
    %logistic3A_198 = arith.divf %logistic3A_196, %logistic3A_197 : vector<1x2500xf32>
    %slice3A_199 = vector.extract_strided_slice %add3A_131 {offsets = [15, 0], sizes = [1, 2500], strides = [1, 1]} : vector<54x2500xf32> to vector<1x2500xf32>
    %slice3A_200 = vector.extract_strided_slice %add3A_131 {offsets = [14, 0], sizes = [1, 2500], strides = [1, 1]} : vector<54x2500xf32> to vector<1x2500xf32>
    %sub3A_201 = arith.subf %slice3A_199, %slice3A_200 : vector<1x2500xf32>
    %logistic3A_202 = arith.negf %sub3A_201 : vector<1x2500xf32>
    %logistic3A_203 = math.exp %logistic3A_202 : vector<1x2500xf32>
    %logistic3A_204 = arith.constant 1.000000e+00 : f32
    %logistic3A_205 = vector.broadcast %logistic3A_204 : f32 to vector<1x2500xf32>
    %logistic3A_206 = arith.addf %logistic3A_205, %logistic3A_203 : vector<1x2500xf32>
    %logistic3A_207 = arith.divf %logistic3A_205, %logistic3A_206 : vector<1x2500xf32>
    %slice3A_208 = vector.extract_strided_slice %add3A_131 {offsets = [17, 0], sizes = [1, 2500], strides = [1, 1]} : vector<54x2500xf32> to vector<1x2500xf32>
    %slice3A_209 = vector.extract_strided_slice %add3A_131 {offsets = [16, 0], sizes = [1, 2500], strides = [1, 1]} : vector<54x2500xf32> to vector<1x2500xf32>
    %sub3A_210 = arith.subf %slice3A_208, %slice3A_209 : vector<1x2500xf32>
    %logistic3A_211 = arith.negf %sub3A_210 : vector<1x2500xf32>
    %logistic3A_212 = math.exp %logistic3A_211 : vector<1x2500xf32>
    %logistic3A_213 = arith.constant 1.000000e+00 : f32
    %logistic3A_214 = vector.broadcast %logistic3A_213 : f32 to vector<1x2500xf32>
    %logistic3A_215 = arith.addf %logistic3A_214, %logistic3A_212 : vector<1x2500xf32>
    %logistic3A_216 = arith.divf %logistic3A_214, %logistic3A_215 : vector<1x2500xf32>
    %concatenate3A_217 = tpu.concatenate %logistic3A_144, %logistic3A_153, %logistic3A_162, %logistic3A_171, %logistic3A_180, %logistic3A_189, %logistic3A_198, %logistic3A_207, %logistic3A_216 in 0 : vector<1x2500xf32>, vector<1x2500xf32>, vector<1x2500xf32>, vector<1x2500xf32>, vector<1x2500xf32>, vector<1x2500xf32>, vector<1x2500xf32>, vector<1x2500xf32>, vector<1x2500xf32> -> vector<9x2500xf32>
    %slice3A_218 = vector.extract_strided_slice %add3A_131 {offsets = [18, 0], sizes = [1, 2500], strides = [1, 1]} : vector<54x2500xf32> to vector<1x2500xf32>
    %slice3A_219 = vector.extract_strided_slice %add3A_131 {offsets = [22, 0], sizes = [1, 2500], strides = [1, 1]} : vector<54x2500xf32> to vector<1x2500xf32>
    %slice3A_220 = vector.extract_strided_slice %add3A_131 {offsets = [26, 0], sizes = [1, 2500], strides = [1, 1]} : vector<54x2500xf32> to vector<1x2500xf32>
    %slice3A_221 = vector.extract_strided_slice %add3A_131 {offsets = [30, 0], sizes = [1, 2500], strides = [1, 1]} : vector<54x2500xf32> to vector<1x2500xf32>
    %slice3A_222 = vector.extract_strided_slice %add3A_131 {offsets = [34, 0], sizes = [1, 2500], strides = [1, 1]} : vector<54x2500xf32> to vector<1x2500xf32>
    %slice3A_223 = vector.extract_strided_slice %add3A_131 {offsets = [38, 0], sizes = [1, 2500], strides = [1, 1]} : vector<54x2500xf32> to vector<1x2500xf32>
    %slice3A_224 = vector.extract_strided_slice %add3A_131 {offsets = [42, 0], sizes = [1, 2500], strides = [1, 1]} : vector<54x2500xf32> to vector<1x2500xf32>
    %slice3A_225 = vector.extract_strided_slice %add3A_131 {offsets = [46, 0], sizes = [1, 2500], strides = [1, 1]} : vector<54x2500xf32> to vector<1x2500xf32>
    %slice3A_226 = vector.extract_strided_slice %add3A_131 {offsets = [50, 0], sizes = [1, 2500], strides = [1, 1]} : vector<54x2500xf32> to vector<1x2500xf32>
    %concatenate3A_227 = tpu.concatenate %slice3A_218, %slice3A_219, %slice3A_220, %slice3A_221, %slice3A_222, %slice3A_223, %slice3A_224, %slice3A_225, %slice3A_226 in 0 : vector<1x2500xf32>, vector<1x2500xf32>, vector<1x2500xf32>, vector<1x2500xf32>, vector<1x2500xf32>, vector<1x2500xf32>, vector<1x2500xf32>, vector<1x2500xf32>, vector<1x2500xf32> -> vector<9x2500xf32>
    %slice3A_228 = vector.extract_strided_slice %add3A_131 {offsets = [19, 0], sizes = [1, 2500], strides = [1, 1]} : vector<54x2500xf32> to vector<1x2500xf32>
    %slice3A_229 = vector.extract_strided_slice %add3A_131 {offsets = [23, 0], sizes = [1, 2500], strides = [1, 1]} : vector<54x2500xf32> to vector<1x2500xf32>
    %slice3A_230 = vector.extract_strided_slice %add3A_131 {offsets = [27, 0], sizes = [1, 2500], strides = [1, 1]} : vector<54x2500xf32> to vector<1x2500xf32>
    %slice3A_231 = vector.extract_strided_slice %add3A_131 {offsets = [31, 0], sizes = [1, 2500], strides = [1, 1]} : vector<54x2500xf32> to vector<1x2500xf32>
    %slice3A_232 = vector.extract_strided_slice %add3A_131 {offsets = [35, 0], sizes = [1, 2500], strides = [1, 1]} : vector<54x2500xf32> to vector<1x2500xf32>
    %slice3A_233 = vector.extract_strided_slice %add3A_131 {offsets = [39, 0], sizes = [1, 2500], strides = [1, 1]} : vector<54x2500xf32> to vector<1x2500xf32>
    %slice3A_234 = vector.extract_strided_slice %add3A_131 {offsets = [43, 0], sizes = [1, 2500], strides = [1, 1]} : vector<54x2500xf32> to vector<1x2500xf32>
    %slice3A_235 = vector.extract_strided_slice %add3A_131 {offsets = [47, 0], sizes = [1, 2500], strides = [1, 1]} : vector<54x2500xf32> to vector<1x2500xf32>
    %slice3A_236 = vector.extract_strided_slice %add3A_131 {offsets = [51, 0], sizes = [1, 2500], strides = [1, 1]} : vector<54x2500xf32> to vector<1x2500xf32>
    %concatenate3A_237 = tpu.concatenate %slice3A_228, %slice3A_229, %slice3A_230, %slice3A_231, %slice3A_232, %slice3A_233, %slice3A_234, %slice3A_235, %slice3A_236 in 0 : vector<1x2500xf32>, vector<1x2500xf32>, vector<1x2500xf32>, vector<1x2500xf32>, vector<1x2500xf32>, vector<1x2500xf32>, vector<1x2500xf32>, vector<1x2500xf32>, vector<1x2500xf32> -> vector<9x2500xf32>
    %slice3A_238 = vector.extract_strided_slice %add3A_131 {offsets = [20, 0], sizes = [1, 2500], strides = [1, 1]} : vector<54x2500xf32> to vector<1x2500xf32>
    %slice3A_239 = vector.extract_strided_slice %add3A_131 {offsets = [24, 0], sizes = [1, 2500], strides = [1, 1]} : vector<54x2500xf32> to vector<1x2500xf32>
    %slice3A_240 = vector.extract_strided_slice %add3A_131 {offsets = [28, 0], sizes = [1, 2500], strides = [1, 1]} : vector<54x2500xf32> to vector<1x2500xf32>
    %slice3A_241 = vector.extract_strided_slice %add3A_131 {offsets = [32, 0], sizes = [1, 2500], strides = [1, 1]} : vector<54x2500xf32> to vector<1x2500xf32>
    %slice3A_242 = vector.extract_strided_slice %add3A_131 {offsets = [36, 0], sizes = [1, 2500], strides = [1, 1]} : vector<54x2500xf32> to vector<1x2500xf32>
    %slice3A_243 = vector.extract_strided_slice %add3A_131 {offsets = [40, 0], sizes = [1, 2500], strides = [1, 1]} : vector<54x2500xf32> to vector<1x2500xf32>
    %slice3A_244 = vector.extract_strided_slice %add3A_131 {offsets = [44, 0], sizes = [1, 2500], strides = [1, 1]} : vector<54x2500xf32> to vector<1x2500xf32>
    %slice3A_245 = vector.extract_strided_slice %add3A_131 {offsets = [48, 0], sizes = [1, 2500], strides = [1, 1]} : vector<54x2500xf32> to vector<1x2500xf32>
    %slice3A_246 = vector.extract_strided_slice %add3A_131 {offsets = [52, 0], sizes = [1, 2500], strides = [1, 1]} : vector<54x2500xf32> to vector<1x2500xf32>
    %concatenate3A_247 = tpu.concatenate %slice3A_238, %slice3A_239, %slice3A_240, %slice3A_241, %slice3A_242, %slice3A_243, %slice3A_244, %slice3A_245, %slice3A_246 in 0 : vector<1x2500xf32>, vector<1x2500xf32>, vector<1x2500xf32>, vector<1x2500xf32>, vector<1x2500xf32>, vector<1x2500xf32>, vector<1x2500xf32>, vector<1x2500xf32>, vector<1x2500xf32> -> vector<9x2500xf32>
    %slice3A_248 = vector.extract_strided_slice %add3A_131 {offsets = [21, 0], sizes = [1, 2500], strides = [1, 1]} : vector<54x2500xf32> to vector<1x2500xf32>
    %slice3A_249 = vector.extract_strided_slice %add3A_131 {offsets = [25, 0], sizes = [1, 2500], strides = [1, 1]} : vector<54x2500xf32> to vector<1x2500xf32>
    %slice3A_250 = vector.extract_strided_slice %add3A_131 {offsets = [29, 0], sizes = [1, 2500], strides = [1, 1]} : vector<54x2500xf32> to vector<1x2500xf32>
    %slice3A_251 = vector.extract_strided_slice %add3A_131 {offsets = [33, 0], sizes = [1, 2500], strides = [1, 1]} : vector<54x2500xf32> to vector<1x2500xf32>
    %slice3A_252 = vector.extract_strided_slice %add3A_131 {offsets = [37, 0], sizes = [1, 2500], strides = [1, 1]} : vector<54x2500xf32> to vector<1x2500xf32>
    %slice3A_253 = vector.extract_strided_slice %add3A_131 {offsets = [41, 0], sizes = [1, 2500], strides = [1, 1]} : vector<54x2500xf32> to vector<1x2500xf32>
    %slice3A_254 = vector.extract_strided_slice %add3A_131 {offsets = [45, 0], sizes = [1, 2500], strides = [1, 1]} : vector<54x2500xf32> to vector<1x2500xf32>
    %slice3A_255 = vector.extract_strided_slice %add3A_131 {offsets = [49, 0], sizes = [1, 2500], strides = [1, 1]} : vector<54x2500xf32> to vector<1x2500xf32>
    %slice3A_256 = vector.extract_strided_slice %add3A_131 {offsets = [53, 0], sizes = [1, 2500], strides = [1, 1]} : vector<54x2500xf32> to vector<1x2500xf32>
    %concatenate3A_257 = tpu.concatenate %slice3A_248, %slice3A_249, %slice3A_250, %slice3A_251, %slice3A_252, %slice3A_253, %slice3A_254, %slice3A_255, %slice3A_256 in 0 : vector<1x2500xf32>, vector<1x2500xf32>, vector<1x2500xf32>, vector<1x2500xf32>, vector<1x2500xf32>, vector<1x2500xf32>, vector<1x2500xf32>, vector<1x2500xf32>, vector<1x2500xf32> -> vector<9x2500xf32>
    %get3A_258 = arith.constant 0 : index
    %get3A_259 = arith.constant 0 : index
    %get3A_260 = arith.constant 0 : index
    %get3A_261 = vector.load %arg5[%get3A_258, %get3A_259, %get3A_260] : memref<4x9x2500xf32, #tpu.memory_space<vmem>>, vector<1x9x2500xf32>
    %get3A_262 = vector.shape_cast %get3A_261 : vector<1x9x2500xf32> to vector<9x2500xf32>
    %get3A_263 = arith.constant 1 : index
    %get3A_264 = arith.constant 0 : index
    %get3A_265 = arith.constant 0 : index
    %get3A_266 = vector.load %arg5[%get3A_263, %get3A_264, %get3A_265] : memref<4x9x2500xf32, #tpu.memory_space<vmem>>, vector<1x9x2500xf32>
    %get3A_267 = vector.shape_cast %get3A_266 : vector<1x9x2500xf32> to vector<9x2500xf32>
    %get3A_268 = arith.constant 2 : index
    %get3A_269 = arith.constant 0 : index
    %get3A_270 = arith.constant 0 : index
    %get3A_271 = vector.load %arg5[%get3A_268, %get3A_269, %get3A_270] : memref<4x9x2500xf32, #tpu.memory_space<vmem>>, vector<1x9x2500xf32>
    %get3A_272 = vector.shape_cast %get3A_271 : vector<1x9x2500xf32> to vector<9x2500xf32>
    %get3A_273 = arith.constant 3 : index
    %get3A_274 = arith.constant 0 : index
    %get3A_275 = arith.constant 0 : index
    %get3A_276 = vector.load %arg5[%get3A_273, %get3A_274, %get3A_275] : memref<4x9x2500xf32, #tpu.memory_space<vmem>>, vector<1x9x2500xf32>
    %get3A_277 = vector.shape_cast %get3A_276 : vector<1x9x2500xf32> to vector<9x2500xf32>
    %sub3A_278 = arith.subf %get3A_272, %get3A_262 : vector<9x2500xf32>
    %sub3A_279 = arith.subf %get3A_277, %get3A_267 : vector<9x2500xf32>
    %mul3A = arith.constant 5.000000e-01 : f32
    %mul3A_280 = vector.broadcast %mul3A : f32 to vector<9x2500xf32>
    %mul3A_281 = arith.mulf %mul3A_280, %sub3A_278 : vector<9x2500xf32>
    %add3A_282 = arith.addf %get3A_262, %mul3A_281 : vector<9x2500xf32>
    %mul3A_283 = arith.constant 5.000000e-01 : f32
    %mul3A_284 = vector.broadcast %mul3A_283 : f32 to vector<9x2500xf32>
    %mul3A_285 = arith.mulf %mul3A_284, %sub3A_279 : vector<9x2500xf32>
    %add3A_286 = arith.addf %get3A_267, %mul3A_285 : vector<9x2500xf32>
    %mul3A_287 = arith.mulf %concatenate3A_227, %sub3A_278 : vector<9x2500xf32>
    %add3A_288 = arith.addf %mul3A_287, %add3A_282 : vector<9x2500xf32>
    %mul3A_289 = arith.mulf %concatenate3A_237, %sub3A_279 : vector<9x2500xf32>
    %add3A_290 = arith.addf %mul3A_289, %add3A_286 : vector<9x2500xf32>
    %exp3A = math.exp %concatenate3A_247 : vector<9x2500xf32>
    %mul3A_291 = arith.mulf %exp3A, %sub3A_278 : vector<9x2500xf32>
    %exp3A_292 = math.exp %concatenate3A_257 : vector<9x2500xf32>
    %mul3A_293 = arith.mulf %exp3A_292, %sub3A_279 : vector<9x2500xf32>
    %get3A_294 = arith.constant 0 : index
    %get3A_295 = arith.constant 0 : index
    %get3A_296 = vector.load %arg6[%get3A_294, %get3A_295] : memref<1x1xf32, #tpu.memory_space<vmem>>, vector<1x1xf32>
    %get3A_297 = vector.extract %get3A_296[0, 0] : f32 from vector<1x1xf32>
    %mul3A_298 = arith.constant 5.000000e-01 : f32
    %mul3A_299 = vector.broadcast %mul3A_298 : f32 to vector<9x2500xf32>
    %mul3A_300 = arith.mulf %mul3A_299, %mul3A_291 : vector<9x2500xf32>
    %sub3A_301 = arith.subf %add3A_288, %mul3A_300 : vector<9x2500xf32>
    %jit3A_302 = arith.constant 0.000000e+00 : f32
    %max3A_303 = vector.broadcast %jit3A_302 : f32 to vector<9x2500xf32>
    %max3A_304 = arith.maximumf %max3A_303, %sub3A_301 : vector<9x2500xf32>
    %min3A = vector.broadcast %get3A_297 : f32 to vector<9x2500xf32>
    %min3A_305 = arith.minimumf %min3A, %max3A_304 : vector<9x2500xf32>
    %mul3A_306 = arith.constant 5.000000e-01 : f32
    %mul3A_307 = vector.broadcast %mul3A_306 : f32 to vector<9x2500xf32>
    %mul3A_308 = arith.mulf %mul3A_307, %mul3A_293 : vector<9x2500xf32>
    %sub3A_309 = arith.subf %add3A_290, %mul3A_308 : vector<9x2500xf32>
    %jit3A_310 = arith.constant 0.000000e+00 : f32
    %max3A_311 = vector.broadcast %jit3A_310 : f32 to vector<9x2500xf32>
    %max3A_312 = arith.maximumf %max3A_311, %sub3A_309 : vector<9x2500xf32>
    %min3A_313 = vector.broadcast %get3A_297 : f32 to vector<9x2500xf32>
    %min3A_314 = arith.minimumf %min3A_313, %max3A_312 : vector<9x2500xf32>
    %mul3A_315 = arith.constant 5.000000e-01 : f32
    %mul3A_316 = vector.broadcast %mul3A_315 : f32 to vector<9x2500xf32>
    %mul3A_317 = arith.mulf %mul3A_316, %mul3A_291 : vector<9x2500xf32>
    %add3A_318 = arith.addf %add3A_288, %mul3A_317 : vector<9x2500xf32>
    %jit3A_319 = arith.constant 0.000000e+00 : f32
    %max3A_320 = vector.broadcast %jit3A_319 : f32 to vector<9x2500xf32>
    %max3A_321 = arith.maximumf %max3A_320, %add3A_318 : vector<9x2500xf32>
    %min3A_322 = vector.broadcast %get3A_297 : f32 to vector<9x2500xf32>
    %min3A_323 = arith.minimumf %min3A_322, %max3A_321 : vector<9x2500xf32>
    %mul3A_324 = arith.constant 5.000000e-01 : f32
    %mul3A_325 = vector.broadcast %mul3A_324 : f32 to vector<9x2500xf32>
    %mul3A_326 = arith.mulf %mul3A_325, %mul3A_293 : vector<9x2500xf32>
    %add3A_327 = arith.addf %add3A_290, %mul3A_326 : vector<9x2500xf32>
    %jit3A_328 = arith.constant 0.000000e+00 : f32
    %max3A_329 = vector.broadcast %jit3A_328 : f32 to vector<9x2500xf32>
    %max3A_330 = arith.maximumf %max3A_329, %add3A_327 : vector<9x2500xf32>
    %min3A_331 = vector.broadcast %get3A_297 : f32 to vector<9x2500xf32>
    %min3A_332 = arith.minimumf %min3A_331, %max3A_330 : vector<9x2500xf32>
    %sub3A_333 = arith.subf %min3A_323, %min3A_305 : vector<9x2500xf32>
    %sub3A_334 = arith.subf %min3A_332, %min3A_314 : vector<9x2500xf32>
    %ge3A = arith.constant 1.600000e+01 : f32
    %ge3A_335 = vector.broadcast %ge3A : f32 to vector<9x2500xf32>
    %ge3A_336 = arith.cmpf oge, %sub3A_333, %ge3A_335 : vector<9x2500xf32>
    %ge3A_337 = arith.constant 1.600000e+01 : f32
    %ge3A_338 = vector.broadcast %ge3A_337 : f32 to vector<9x2500xf32>
    %ge3A_339 = arith.cmpf oge, %sub3A_334, %ge3A_338 : vector<9x2500xf32>
    %and3A_340 = arith.andi %ge3A_336, %ge3A_339 : vector<9x2500xi1>
    %jit3A_341 = arith.constant 0xFF800000 : f32
    %broadcast_in_dim3A_342 = vector.broadcast %jit3A_341 : f32 to vector<9x2500xf32>
    %select_n3A_343 = arith.select %and3A_340, %concatenate3A_217, %broadcast_in_dim3A_342 : vector<9x2500xi1>, vector<9x2500xf32>
    %iota3A_344 = tpu.iota {dimensions = array<i32: 1>} : vector<9x2500xi32>
    %mul3A_345 = arith.constant 9 : i32
    %mul3A_346 = vector.broadcast %mul3A_345 : i32 to vector<9x2500xi32>
    %mul3A_347 = arith.muli %iota3A_344, %mul3A_346 : vector<9x2500xi32>
    %iota3A_348 = tpu.iota {dimensions = array<i32: 0>} : vector<9x2500xi32>
    %add3A_349 = arith.addi %mul3A_347, %iota3A_348 : vector<9x2500xi32>
    %bitcast_convert_type3A = tpu.bitcast %select_n3A_343 : vector<9x2500xf32> -> vector<9x2500xi32>
    %scan3A = arith.constant -8388609 : i32
    %scan3A_350 = arith.constant 1065353218 : i32
    %scan3A_351 = arith.constant 0 : i32
    %scan3A_352 = arith.constant 31 : i32
    %scan3A_353 = arith.addi %scan3A_351, %scan3A_352 : i32
    %scan3A_354 = arith.constant 1 : i32
    %scan3A_355:2 = scf.for %scan3A_484 = %scan3A_351 to %scan3A_353 step %scan3A_354 iter_args(%scan3A_485 = %scan3A, %scan3A_486 = %scan3A_350) -> (i32, i32)  : i32 {
      %add3A_487 = arith.addi %scan3A_485, %scan3A_486 : i32
      %jit3A_488 = arith.constant 2 : i32
      %div3A = arith.divsi %add3A_487, %jit3A_488 : i32
      %sign3A = arith.constant 0 : i32
      %sign3A_489 = arith.cmpi sgt, %add3A_487, %sign3A : i32
      %sign3A_490 = arith.extui %sign3A_489 : i1 to i32
      %sign3A_491 = arith.constant 0 : i32
      %sign3A_492 = arith.cmpi slt, %add3A_487, %sign3A_491 : i32
      %sign3A_493 = arith.extui %sign3A_492 : i1 to i32
      %sign3A_494 = arith.subi %sign3A_490, %sign3A_493 : i32
      %sign3A_495 = arith.constant 0 : i32
      %sign3A_496 = arith.cmpi sgt, %jit3A_488, %sign3A_495 : i32
      %sign3A_497 = arith.extui %sign3A_496 : i1 to i32
      %sign3A_498 = arith.constant 0 : i32
      %sign3A_499 = arith.cmpi slt, %jit3A_488, %sign3A_498 : i32
      %sign3A_500 = arith.extui %sign3A_499 : i1 to i32
      %sign3A_501 = arith.subi %sign3A_497, %sign3A_500 : i32
      %ne3A_502 = arith.cmpi ne, %sign3A_494, %sign3A_501 : i32
      %rem3A_503 = arith.remsi %add3A_487, %jit3A_488 : i32
      %ne3A_504 = arith.constant 0 : i32
      %ne3A_505 = arith.cmpi ne, %rem3A_503, %ne3A_504 : i32
      %and3A_506 = arith.andi %ne3A_502, %ne3A_505 : i1
      %sub3A_507 = arith.constant 1 : i32
      %sub3A_508 = arith.subi %div3A, %sub3A_507 : i32
      %select_n3A_509 = arith.select %and3A_506, %sub3A_508, %div3A : i32
      %ge3A_510 = vector.broadcast %select_n3A_509 : i32 to vector<9x2500xi32>
      %ge3A_511 = arith.cmpi sge, %bitcast_convert_type3A, %ge3A_510 : vector<9x2500xi32>
      %convert_element_type3A_512 = arith.extui %ge3A_511 : vector<9x2500xi1> to vector<9x2500xi32>
      %reduce_sum3A_513 = vector.shape_cast %convert_element_type3A_512 : vector<9x2500xi32> to vector<1x9x2500xi32>
      %reduce_sum3A_514 = arith.constant dense<0> : vector<1xi32>
      %reduce_sum3A_515 = vector.multi_reduction <add>, %reduce_sum3A_513, %reduce_sum3A_514 [1, 2] : vector<1x9x2500xi32> to vector<1xi32>
      %reduce_sum3A_516 = vector.shape_cast %reduce_sum3A_515 : vector<1xi32> to vector<1x1x1xi32>
      %reduce_sum3A_517 = vector.extract %reduce_sum3A_516[0, 0, 0] : i32 from vector<1x1x1xi32>
      %ge3A_518 = arith.constant 6000 : i32
      %ge3A_519 = arith.cmpi sge, %reduce_sum3A_517, %ge3A_518 : i32
      %select_n3A_520 = arith.select %ge3A_519, %select_n3A_509, %scan3A_485 : i32
      %select_n3A_521 = arith.select %ge3A_519, %scan3A_486, %select_n3A_509 : i32
      scf.yield %select_n3A_520, %select_n3A_521 : i32, i32
    }
    %gt3A = vector.broadcast %scan3A_355#0 : i32 to vector<9x2500xi32>
    %gt3A_356 = arith.cmpi sgt, %bitcast_convert_type3A, %gt3A : vector<9x2500xi32>
    %convert_element_type3A = arith.extui %gt3A_356 : vector<9x2500xi1> to vector<9x2500xi32>
    %reduce_sum3A = vector.shape_cast %convert_element_type3A : vector<9x2500xi32> to vector<1x9x2500xi32>
    %reduce_sum3A_357 = arith.constant dense<0> : vector<1xi32>
    %reduce_sum3A_358 = vector.multi_reduction <add>, %reduce_sum3A, %reduce_sum3A_357 [1, 2] : vector<1x9x2500xi32> to vector<1xi32>
    %reduce_sum3A_359 = vector.shape_cast %reduce_sum3A_358 : vector<1xi32> to vector<1x1x1xi32>
    %reduce_sum3A_360 = vector.extract %reduce_sum3A_359[0, 0, 0] : i32 from vector<1x1x1xi32>
    %sub3A_361 = arith.constant 6000 : i32
    %sub3A_362 = arith.subi %sub3A_361, %reduce_sum3A_360 : i32
    %eq3A_363 = vector.broadcast %scan3A_355#0 : i32 to vector<9x2500xi32>
    %eq3A_364 = arith.cmpi eq, %bitcast_convert_type3A, %eq3A_363 : vector<9x2500xi32>
    %scan3A_365 = arith.constant 0 : i32
    %scan3A_366 = arith.constant 22501 : i32
    %scan3A_367 = arith.constant 0 : i32
    %scan3A_368 = arith.constant 16 : i32
    %scan3A_369 = arith.addi %scan3A_367, %scan3A_368 : i32
    %scan3A_370 = arith.constant 1 : i32
    %scan3A_371:2 = scf.for %scan3A_484 = %scan3A_367 to %scan3A_369 step %scan3A_370 iter_args(%scan3A_485 = %scan3A_365, %scan3A_486 = %scan3A_366) -> (i32, i32)  : i32 {
      %add3A_487 = arith.addi %scan3A_485, %scan3A_486 : i32
      %jit3A_488 = arith.constant 2 : i32
      %div3A = arith.divsi %add3A_487, %jit3A_488 : i32
      %sign3A = arith.constant 0 : i32
      %sign3A_489 = arith.cmpi sgt, %add3A_487, %sign3A : i32
      %sign3A_490 = arith.extui %sign3A_489 : i1 to i32
      %sign3A_491 = arith.constant 0 : i32
      %sign3A_492 = arith.cmpi slt, %add3A_487, %sign3A_491 : i32
      %sign3A_493 = arith.extui %sign3A_492 : i1 to i32
      %sign3A_494 = arith.subi %sign3A_490, %sign3A_493 : i32
      %sign3A_495 = arith.constant 0 : i32
      %sign3A_496 = arith.cmpi sgt, %jit3A_488, %sign3A_495 : i32
      %sign3A_497 = arith.extui %sign3A_496 : i1 to i32
      %sign3A_498 = arith.constant 0 : i32
      %sign3A_499 = arith.cmpi slt, %jit3A_488, %sign3A_498 : i32
      %sign3A_500 = arith.extui %sign3A_499 : i1 to i32
      %sign3A_501 = arith.subi %sign3A_497, %sign3A_500 : i32
      %ne3A_502 = arith.cmpi ne, %sign3A_494, %sign3A_501 : i32
      %rem3A_503 = arith.remsi %add3A_487, %jit3A_488 : i32
      %ne3A_504 = arith.constant 0 : i32
      %ne3A_505 = arith.cmpi ne, %rem3A_503, %ne3A_504 : i32
      %and3A_506 = arith.andi %ne3A_502, %ne3A_505 : i1
      %sub3A_507 = arith.constant 1 : i32
      %sub3A_508 = arith.subi %div3A, %sub3A_507 : i32
      %select_n3A_509 = arith.select %and3A_506, %sub3A_508, %div3A : i32
      %lt3A_510 = vector.broadcast %select_n3A_509 : i32 to vector<9x2500xi32>
      %lt3A_511 = arith.cmpi slt, %add3A_349, %lt3A_510 : vector<9x2500xi32>
      %and3A_512 = arith.andi %eq3A_364, %lt3A_511 : vector<9x2500xi1>
      %convert_element_type3A_513 = arith.extui %and3A_512 : vector<9x2500xi1> to vector<9x2500xi32>
      %reduce_sum3A_514 = vector.shape_cast %convert_element_type3A_513 : vector<9x2500xi32> to vector<1x9x2500xi32>
      %reduce_sum3A_515 = arith.constant dense<0> : vector<1xi32>
      %reduce_sum3A_516 = vector.multi_reduction <add>, %reduce_sum3A_514, %reduce_sum3A_515 [1, 2] : vector<1x9x2500xi32> to vector<1xi32>
      %reduce_sum3A_517 = vector.shape_cast %reduce_sum3A_516 : vector<1xi32> to vector<1x1x1xi32>
      %reduce_sum3A_518 = vector.extract %reduce_sum3A_517[0, 0, 0] : i32 from vector<1x1x1xi32>
      %ge3A_519 = arith.cmpi sge, %reduce_sum3A_518, %sub3A_362 : i32
      %select_n3A_520 = arith.select %ge3A_519, %scan3A_485, %select_n3A_509 : i32
      %select_n3A_521 = arith.select %ge3A_519, %select_n3A_509, %scan3A_486 : i32
      scf.yield %select_n3A_520, %select_n3A_521 : i32, i32
    }
    %gt3A_372 = vector.broadcast %scan3A_355#0 : i32 to vector<9x2500xi32>
    %gt3A_373 = arith.cmpi sgt, %bitcast_convert_type3A, %gt3A_372 : vector<9x2500xi32>
    %lt3A_374 = vector.broadcast %scan3A_371#1 : i32 to vector<9x2500xi32>
    %lt3A_375 = arith.cmpi slt, %add3A_349, %lt3A_374 : vector<9x2500xi32>
    %and3A_376 = arith.andi %eq3A_364, %lt3A_375 : vector<9x2500xi1>
    %or3A = arith.ori %gt3A_373, %and3A_376 : vector<9x2500xi1>
    %convert_element_type3A_377 = arith.extui %or3A : vector<9x2500xi1> to vector<9x2500xi32>
    %reduce_sum3A_378 = arith.constant dense<0> : vector<2500xi32>
    %reduce_sum3A_379 = vector.multi_reduction <add>, %convert_element_type3A_377, %reduce_sum3A_378 [0] : vector<9x2500xi32> to vector<2500xi32>
    %broadcast_in_dim3A_380 = vector.shape_cast %reduce_sum3A_379 : vector<2500xi32> to vector<1x2500xi32>
    %broadcast_in_dim3A_381 = arith.constant 0 : i32
    %broadcast_in_dim3A_382 = vector.broadcast %broadcast_in_dim3A_381 : i32 to vector<1x1xi32>
    %slice3A_383 = vector.extract_strided_slice %broadcast_in_dim3A_380 {offsets = [0, 0], sizes = [1, 2499], strides = [1, 1]} : vector<1x2500xi32> to vector<1x2499xi32>
    %concatenate3A_384 = tpu.concatenate %broadcast_in_dim3A_382, %slice3A_383 in 1 : vector<1x1xi32>, vector<1x2499xi32> -> vector<1x2500xi32>
    %add3A_385 = arith.addi %broadcast_in_dim3A_380, %concatenate3A_384 : vector<1x2500xi32>
    %broadcast_in_dim3A_386 = arith.constant 0 : i32
    %broadcast_in_dim3A_387 = vector.broadcast %broadcast_in_dim3A_386 : i32 to vector<1x2xi32>
    %slice3A_388 = vector.extract_strided_slice %add3A_385 {offsets = [0, 0], sizes = [1, 2498], strides = [1, 1]} : vector<1x2500xi32> to vector<1x2498xi32>
    %concatenate3A_389 = tpu.concatenate %broadcast_in_dim3A_387, %slice3A_388 in 1 : vector<1x2xi32>, vector<1x2498xi32> -> vector<1x2500xi32>
    %add3A_390 = arith.addi %add3A_385, %concatenate3A_389 : vector<1x2500xi32>
    %broadcast_in_dim3A_391 = arith.constant 0 : i32
    %broadcast_in_dim3A_392 = vector.broadcast %broadcast_in_dim3A_391 : i32 to vector<1x4xi32>
    %slice3A_393 = vector.extract_strided_slice %add3A_390 {offsets = [0, 0], sizes = [1, 2496], strides = [1, 1]} : vector<1x2500xi32> to vector<1x2496xi32>
    %concatenate3A_394 = tpu.concatenate %broadcast_in_dim3A_392, %slice3A_393 in 1 : vector<1x4xi32>, vector<1x2496xi32> -> vector<1x2500xi32>
    %add3A_395 = arith.addi %add3A_390, %concatenate3A_394 : vector<1x2500xi32>
    %broadcast_in_dim3A_396 = arith.constant 0 : i32
    %broadcast_in_dim3A_397 = vector.broadcast %broadcast_in_dim3A_396 : i32 to vector<1x8xi32>
    %slice3A_398 = vector.extract_strided_slice %add3A_395 {offsets = [0, 0], sizes = [1, 2492], strides = [1, 1]} : vector<1x2500xi32> to vector<1x2492xi32>
    %concatenate3A_399 = tpu.concatenate %broadcast_in_dim3A_397, %slice3A_398 in 1 : vector<1x8xi32>, vector<1x2492xi32> -> vector<1x2500xi32>
    %add3A_400 = arith.addi %add3A_395, %concatenate3A_399 : vector<1x2500xi32>
    %broadcast_in_dim3A_401 = arith.constant 0 : i32
    %broadcast_in_dim3A_402 = vector.broadcast %broadcast_in_dim3A_401 : i32 to vector<1x16xi32>
    %slice3A_403 = vector.extract_strided_slice %add3A_400 {offsets = [0, 0], sizes = [1, 2484], strides = [1, 1]} : vector<1x2500xi32> to vector<1x2484xi32>
    %concatenate3A_404 = tpu.concatenate %broadcast_in_dim3A_402, %slice3A_403 in 1 : vector<1x16xi32>, vector<1x2484xi32> -> vector<1x2500xi32>
    %add3A_405 = arith.addi %add3A_400, %concatenate3A_404 : vector<1x2500xi32>
    %broadcast_in_dim3A_406 = arith.constant 0 : i32
    %broadcast_in_dim3A_407 = vector.broadcast %broadcast_in_dim3A_406 : i32 to vector<1x32xi32>
    %slice3A_408 = vector.extract_strided_slice %add3A_405 {offsets = [0, 0], sizes = [1, 2468], strides = [1, 1]} : vector<1x2500xi32> to vector<1x2468xi32>
    %concatenate3A_409 = tpu.concatenate %broadcast_in_dim3A_407, %slice3A_408 in 1 : vector<1x32xi32>, vector<1x2468xi32> -> vector<1x2500xi32>
    %add3A_410 = arith.addi %add3A_405, %concatenate3A_409 : vector<1x2500xi32>
    %broadcast_in_dim3A_411 = arith.constant 0 : i32
    %broadcast_in_dim3A_412 = vector.broadcast %broadcast_in_dim3A_411 : i32 to vector<1x64xi32>
    %slice3A_413 = vector.extract_strided_slice %add3A_410 {offsets = [0, 0], sizes = [1, 2436], strides = [1, 1]} : vector<1x2500xi32> to vector<1x2436xi32>
    %concatenate3A_414 = tpu.concatenate %broadcast_in_dim3A_412, %slice3A_413 in 1 : vector<1x64xi32>, vector<1x2436xi32> -> vector<1x2500xi32>
    %add3A_415 = arith.addi %add3A_410, %concatenate3A_414 : vector<1x2500xi32>
    %broadcast_in_dim3A_416 = arith.constant 0 : i32
    %broadcast_in_dim3A_417 = vector.broadcast %broadcast_in_dim3A_416 : i32 to vector<1x128xi32>
    %slice3A_418 = vector.extract_strided_slice %add3A_415 {offsets = [0, 0], sizes = [1, 2372], strides = [1, 1]} : vector<1x2500xi32> to vector<1x2372xi32>
    %concatenate3A_419 = tpu.concatenate %broadcast_in_dim3A_417, %slice3A_418 in 1 : vector<1x128xi32>, vector<1x2372xi32> -> vector<1x2500xi32>
    %add3A_420 = arith.addi %add3A_415, %concatenate3A_419 : vector<1x2500xi32>
    %broadcast_in_dim3A_421 = arith.constant 0 : i32
    %broadcast_in_dim3A_422 = vector.broadcast %broadcast_in_dim3A_421 : i32 to vector<1x256xi32>
    %slice3A_423 = vector.extract_strided_slice %add3A_420 {offsets = [0, 0], sizes = [1, 2244], strides = [1, 1]} : vector<1x2500xi32> to vector<1x2244xi32>
    %concatenate3A_424 = tpu.concatenate %broadcast_in_dim3A_422, %slice3A_423 in 1 : vector<1x256xi32>, vector<1x2244xi32> -> vector<1x2500xi32>
    %add3A_425 = arith.addi %add3A_420, %concatenate3A_424 : vector<1x2500xi32>
    %broadcast_in_dim3A_426 = arith.constant 0 : i32
    %broadcast_in_dim3A_427 = vector.broadcast %broadcast_in_dim3A_426 : i32 to vector<1x512xi32>
    %slice3A_428 = vector.extract_strided_slice %add3A_425 {offsets = [0, 0], sizes = [1, 1988], strides = [1, 1]} : vector<1x2500xi32> to vector<1x1988xi32>
    %concatenate3A_429 = tpu.concatenate %broadcast_in_dim3A_427, %slice3A_428 in 1 : vector<1x512xi32>, vector<1x1988xi32> -> vector<1x2500xi32>
    %add3A_430 = arith.addi %add3A_425, %concatenate3A_429 : vector<1x2500xi32>
    %broadcast_in_dim3A_431 = arith.constant 0 : i32
    %broadcast_in_dim3A_432 = vector.broadcast %broadcast_in_dim3A_431 : i32 to vector<1x1024xi32>
    %slice3A_433 = vector.extract_strided_slice %add3A_430 {offsets = [0, 0], sizes = [1, 1476], strides = [1, 1]} : vector<1x2500xi32> to vector<1x1476xi32>
    %concatenate3A_434 = tpu.concatenate %broadcast_in_dim3A_432, %slice3A_433 in 1 : vector<1x1024xi32>, vector<1x1476xi32> -> vector<1x2500xi32>
    %add3A_435 = arith.addi %add3A_430, %concatenate3A_434 : vector<1x2500xi32>
    %broadcast_in_dim3A_436 = arith.constant 0 : i32
    %broadcast_in_dim3A_437 = vector.broadcast %broadcast_in_dim3A_436 : i32 to vector<1x2048xi32>
    %slice3A_438 = vector.extract_strided_slice %add3A_435 {offsets = [0, 0], sizes = [1, 452], strides = [1, 1]} : vector<1x2500xi32> to vector<1x452xi32>
    %concatenate3A_439 = tpu.concatenate %broadcast_in_dim3A_437, %slice3A_438 in 1 : vector<1x2048xi32>, vector<1x452xi32> -> vector<1x2500xi32>
    %add3A_440 = arith.addi %add3A_435, %concatenate3A_439 : vector<1x2500xi32>
    %sub3A_441 = arith.subi %add3A_440, %broadcast_in_dim3A_380 : vector<1x2500xi32>
    %broadcast_in_dim3A_442 = arith.constant 0 : i32
    %broadcast_in_dim3A_443 = vector.broadcast %broadcast_in_dim3A_442 : i32 to vector<1x2500xi32>
    %broadcast_in_dim3A_444 = arith.constant 0 : i32
    %broadcast_in_dim3A_445 = vector.broadcast %broadcast_in_dim3A_444 : i32 to vector<1x2500xi32>
    %slice3A_446 = vector.extract_strided_slice %convert_element_type3A_377 {offsets = [0, 0], sizes = [1, 2500], strides = [1, 1]} : vector<9x2500xi32> to vector<1x2500xi32>
    %add3A_447 = arith.addi %broadcast_in_dim3A_445, %slice3A_446 : vector<1x2500xi32>
    %slice3A_448 = vector.extract_strided_slice %convert_element_type3A_377 {offsets = [1, 0], sizes = [1, 2500], strides = [1, 1]} : vector<9x2500xi32> to vector<1x2500xi32>
    %add3A_449 = arith.addi %add3A_447, %slice3A_448 : vector<1x2500xi32>
    %slice3A_450 = vector.extract_strided_slice %convert_element_type3A_377 {offsets = [2, 0], sizes = [1, 2500], strides = [1, 1]} : vector<9x2500xi32> to vector<1x2500xi32>
    %add3A_451 = arith.addi %add3A_449, %slice3A_450 : vector<1x2500xi32>
    %slice3A_452 = vector.extract_strided_slice %convert_element_type3A_377 {offsets = [3, 0], sizes = [1, 2500], strides = [1, 1]} : vector<9x2500xi32> to vector<1x2500xi32>
    %add3A_453 = arith.addi %add3A_451, %slice3A_452 : vector<1x2500xi32>
    %slice3A_454 = vector.extract_strided_slice %convert_element_type3A_377 {offsets = [4, 0], sizes = [1, 2500], strides = [1, 1]} : vector<9x2500xi32> to vector<1x2500xi32>
    %add3A_455 = arith.addi %add3A_453, %slice3A_454 : vector<1x2500xi32>
    %slice3A_456 = vector.extract_strided_slice %convert_element_type3A_377 {offsets = [5, 0], sizes = [1, 2500], strides = [1, 1]} : vector<9x2500xi32> to vector<1x2500xi32>
    %add3A_457 = arith.addi %add3A_455, %slice3A_456 : vector<1x2500xi32>
    %slice3A_458 = vector.extract_strided_slice %convert_element_type3A_377 {offsets = [6, 0], sizes = [1, 2500], strides = [1, 1]} : vector<9x2500xi32> to vector<1x2500xi32>
    %add3A_459 = arith.addi %add3A_457, %slice3A_458 : vector<1x2500xi32>
    %slice3A_460 = vector.extract_strided_slice %convert_element_type3A_377 {offsets = [7, 0], sizes = [1, 2500], strides = [1, 1]} : vector<9x2500xi32> to vector<1x2500xi32>
    %add3A_461 = arith.addi %add3A_459, %slice3A_460 : vector<1x2500xi32>
    %concatenate3A_462 = tpu.concatenate %broadcast_in_dim3A_443, %add3A_447, %add3A_449, %add3A_451, %add3A_453, %add3A_455, %add3A_457, %add3A_459, %add3A_461 in 0 : vector<1x2500xi32>, vector<1x2500xi32>, vector<1x2500xi32>, vector<1x2500xi32>, vector<1x2500xi32>, vector<1x2500xi32>, vector<1x2500xi32>, vector<1x2500xi32>, vector<1x2500xi32> -> vector<9x2500xi32>
    %add3A_463 = vector.broadcast %sub3A_441 : vector<1x2500xi32> to vector<9x2500xi32>
    %add3A_464 = arith.addi %add3A_463, %concatenate3A_462 : vector<9x2500xi32>
    %jit3A_465 = arith.constant 6008 : i32
    %broadcast_in_dim3A_466 = vector.broadcast %jit3A_465 : i32 to vector<9x2500xi32>
    %select_n3A_467 = arith.select %or3A, %add3A_464, %broadcast_in_dim3A_466 : vector<9x2500xi1>, vector<9x2500xi32>
    %swap3A_468 = arith.constant 0 : index
    %swap3A_469 = arith.constant 0 : index
    %swap3A_470 = vector.load %arg10[%swap3A_468, %swap3A_469] : memref<9x2500xi32, #tpu.memory_space<vmem>>, vector<9x2500xi32>
    tpu.vector_store %arg10[%swap3A_468, %swap3A_469], %select_n3A_467 {strides = array<i32>} : memref<9x2500xi32, #tpu.memory_space<vmem>>, vector<9x2500xi32>,
    %jit3A_471 = arith.constant -2147483648 : i32
    %broadcast_in_dim3A_472 = vector.broadcast %jit3A_471 : i32 to vector<9x2500xi32>
    %select_n3A_473 = arith.select %or3A, %bitcast_convert_type3A, %broadcast_in_dim3A_472 : vector<9x2500xi1>, vector<9x2500xi32>
    %bitcast_convert_type3A_474 = tpu.bitcast %select_n3A_473 : vector<9x2500xi32> -> vector<9x2500xf32>
    %reshape3A = vector.shape_cast %min3A_305 : vector<9x2500xf32> to vector<1x9x2500xf32>
    %reshape3A_475 = vector.shape_cast %min3A_314 : vector<9x2500xf32> to vector<1x9x2500xf32>
    %reshape3A_476 = vector.shape_cast %min3A_323 : vector<9x2500xf32> to vector<1x9x2500xf32>
    %reshape3A_477 = vector.shape_cast %min3A_332 : vector<9x2500xf32> to vector<1x9x2500xf32>
    %reshape3A_478 = vector.shape_cast %bitcast_convert_type3A_474 : vector<9x2500xf32> to vector<1x9x2500xf32>
    %concatenate3A_479 = tpu.concatenate %reshape3A, %reshape3A_475, %reshape3A_476, %reshape3A_477, %reshape3A_478 in 0 : vector<1x9x2500xf32>, vector<1x9x2500xf32>, vector<1x9x2500xf32>, vector<1x9x2500xf32>, vector<1x9x2500xf32> -> vector<5x9x2500xf32>
    %swap3A_480 = arith.constant 0 : index
    %swap3A_481 = arith.constant 0 : index
    %swap3A_482 = arith.constant 0 : index
    %swap3A_483 = vector.load %arg9[%swap3A_480, %swap3A_481, %swap3A_482] : memref<5x9x2500xf32, #tpu.memory_space<vmem>>, vector<5x9x2500xf32>
    tpu.vector_store %arg9[%swap3A_480, %swap3A_481, %swap3A_482], %concatenate3A_479 {strides = array<i32>} : memref<5x9x2500xf32, #tpu.memory_space<vmem>>, vector<5x9x2500xf32>,
    return
  }
}

module attributes {stable_mosaic.version = 14 : i64} {
  func.func @_nms_body(%arg0: memref<5x47x128xf32, #tpu.memory_space<vmem>>, %arg1: memref<300x128xf32, #tpu.memory_space<vmem>>) attributes {dimension_semantics = [], scalar_prefetch = 0 : i64, scratch_operands = 0 : i64, tpu.core_type = #tpu.core_type<tc>} {
    %get3A = arith.constant 0 : index
    %get3A_0 = arith.constant 0 : index
    %get3A_1 = arith.constant 0 : index
    %get3A_2 = vector.load %arg0[%get3A, %get3A_0, %get3A_1] : memref<5x47x128xf32, #tpu.memory_space<vmem>>, vector<1x47x128xf32>
    %get3A_3 = vector.shape_cast %get3A_2 : vector<1x47x128xf32> to vector<47x128xf32>
    %get3A_4 = arith.constant 1 : index
    %get3A_5 = arith.constant 0 : index
    %get3A_6 = arith.constant 0 : index
    %get3A_7 = vector.load %arg0[%get3A_4, %get3A_5, %get3A_6] : memref<5x47x128xf32, #tpu.memory_space<vmem>>, vector<1x47x128xf32>
    %get3A_8 = vector.shape_cast %get3A_7 : vector<1x47x128xf32> to vector<47x128xf32>
    %get3A_9 = arith.constant 2 : index
    %get3A_10 = arith.constant 0 : index
    %get3A_11 = arith.constant 0 : index
    %get3A_12 = vector.load %arg0[%get3A_9, %get3A_10, %get3A_11] : memref<5x47x128xf32, #tpu.memory_space<vmem>>, vector<1x47x128xf32>
    %get3A_13 = vector.shape_cast %get3A_12 : vector<1x47x128xf32> to vector<47x128xf32>
    %get3A_14 = arith.constant 3 : index
    %get3A_15 = arith.constant 0 : index
    %get3A_16 = arith.constant 0 : index
    %get3A_17 = vector.load %arg0[%get3A_14, %get3A_15, %get3A_16] : memref<5x47x128xf32, #tpu.memory_space<vmem>>, vector<1x47x128xf32>
    %get3A_18 = vector.shape_cast %get3A_17 : vector<1x47x128xf32> to vector<47x128xf32>
    %get3A_19 = arith.constant 4 : index
    %get3A_20 = arith.constant 0 : index
    %get3A_21 = arith.constant 0 : index
    %get3A_22 = vector.load %arg0[%get3A_19, %get3A_20, %get3A_21] : memref<5x47x128xf32, #tpu.memory_space<vmem>>, vector<1x47x128xf32>
    %get3A_23 = vector.shape_cast %get3A_22 : vector<1x47x128xf32> to vector<47x128xf32>
    %bitcast_convert_type3A = tpu.bitcast %get3A_23 : vector<47x128xf32> -> vector<47x128xi32>
    %iota3A = tpu.iota {dimensions = array<i32: 0>} : vector<47x128xi32>
    %mul3A = arith.constant 128 : i32
    %mul3A_24 = vector.broadcast %mul3A : i32 to vector<47x128xi32>
    %mul3A_25 = arith.muli %iota3A, %mul3A_24 : vector<47x128xi32>
    %iota3A_26 = tpu.iota {dimensions = array<i32: 1>} : vector<47x128xi32>
    %add3A = arith.addi %mul3A_25, %iota3A_26 : vector<47x128xi32>
    %lt3A = arith.constant 6000 : i32
    %lt3A_27 = vector.broadcast %lt3A : i32 to vector<47x128xi32>
    %lt3A_28 = arith.cmpi slt, %add3A, %lt3A_27 : vector<47x128xi32>
    %jit3A = arith.constant -2147483648 : i32
    %broadcast_in_dim3A = vector.broadcast %jit3A : i32 to vector<47x128xi32>
    %select_n3A = arith.select %lt3A_28, %bitcast_convert_type3A, %broadcast_in_dim3A : vector<47x128xi1>, vector<47x128xi32>
    %sub3A = arith.subf %get3A_13, %get3A_3 : vector<47x128xf32>
    %sub3A_29 = arith.subf %get3A_18, %get3A_8 : vector<47x128xf32>
    %mul3A_30 = arith.mulf %sub3A, %sub3A_29 : vector<47x128xf32>
    %iota3A_31 = tpu.iota {dimensions = array<i32: 1>} : vector<1x128xi32>
    %broadcast_in_dim3A_32 = arith.constant 0.000000e+00 : f32
    %broadcast_in_dim3A_33 = vector.broadcast %broadcast_in_dim3A_32 : f32 to vector<1x128xf32>
    %scan3A = arith.constant 0 : i32
    %scan3A_34 = arith.constant 300 : i32
    %scan3A_35 = arith.addi %scan3A, %scan3A_34 : i32
    %scan3A_36 = arith.constant 1 : i32
    %scan3A_37:2 = scf.for %scan3A_39 = %scan3A to %scan3A_35 step %scan3A_36 iter_args(%scan3A_40 = %select_n3A, %scan3A_41 = %broadcast_in_dim3A_33) -> (vector<47x128xi32>, vector<1x128xf32>)  : i32 {
      %reduce_max3A = vector.shape_cast %scan3A_40 : vector<47x128xi32> to vector<1x47x128xi32>
      %reduce_max3A_42 = arith.constant dense<-2147483648> : vector<1xi32>
      %reduce_max3A_43 = vector.multi_reduction <maxsi>, %reduce_max3A, %reduce_max3A_42 [1, 2] : vector<1x47x128xi32> to vector<1xi32>
      %reduce_max3A_44 = vector.shape_cast %reduce_max3A_43 : vector<1xi32> to vector<1x1x1xi32>
      %reduce_max3A_45 = vector.extract %reduce_max3A_44[0, 0, 0] : i32 from vector<1x1x1xi32>
      %gt3A = arith.constant -2147483648 : i32
      %gt3A_46 = arith.cmpi sgt, %reduce_max3A_45, %gt3A : i32
      %eq3A = vector.broadcast %reduce_max3A_45 : i32 to vector<47x128xi32>
      %eq3A_47 = arith.cmpi eq, %scan3A_40, %eq3A : vector<47x128xi32>
      %convert_element_type3A = arith.extui %eq3A_47 : vector<47x128xi1> to vector<47x128xi32>
      %reduce_sum3A = vector.shape_cast %convert_element_type3A : vector<47x128xi32> to vector<1x47x128xi32>
      %reduce_sum3A_48 = arith.constant dense<0> : vector<1xi32>
      %reduce_sum3A_49 = vector.multi_reduction <add>, %reduce_sum3A, %reduce_sum3A_48 [1, 2] : vector<1x47x128xi32> to vector<1xi32>
      %reduce_sum3A_50 = vector.shape_cast %reduce_sum3A_49 : vector<1xi32> to vector<1x1x1xi32>
      %reduce_sum3A_51 = vector.extract %reduce_sum3A_50[0, 0, 0] : i32 from vector<1x1x1xi32>
      %jit3A_52 = arith.constant 0.000000e+00 : f32
      %broadcast_in_dim3A_53 = vector.broadcast %jit3A_52 : f32 to vector<47x128xf32>
      %select_n3A_54 = arith.select %eq3A_47, %get3A_3, %broadcast_in_dim3A_53 : vector<47x128xi1>, vector<47x128xf32>
      %reduce_sum3A_55 = vector.shape_cast %select_n3A_54 : vector<47x128xf32> to vector<1x47x128xf32>
      %reduce_sum3A_56 = arith.constant dense<0.000000e+00> : vector<1xf32>
      %reduce_sum3A_57 = vector.multi_reduction <add>, %reduce_sum3A_55, %reduce_sum3A_56 [1, 2] : vector<1x47x128xf32> to vector<1xf32>
      %reduce_sum3A_58 = vector.shape_cast %reduce_sum3A_57 : vector<1xf32> to vector<1x1x1xf32>
      %reduce_sum3A_59 = vector.extract %reduce_sum3A_58[0, 0, 0] : f32 from vector<1x1x1xf32>
      %jit3A_60 = arith.constant 0.000000e+00 : f32
      %broadcast_in_dim3A_61 = vector.broadcast %jit3A_60 : f32 to vector<47x128xf32>
      %select_n3A_62 = arith.select %eq3A_47, %get3A_8, %broadcast_in_dim3A_61 : vector<47x128xi1>, vector<47x128xf32>
      %reduce_sum3A_63 = vector.shape_cast %select_n3A_62 : vector<47x128xf32> to vector<1x47x128xf32>
      %reduce_sum3A_64 = arith.constant dense<0.000000e+00> : vector<1xf32>
      %reduce_sum3A_65 = vector.multi_reduction <add>, %reduce_sum3A_63, %reduce_sum3A_64 [1, 2] : vector<1x47x128xf32> to vector<1xf32>
      %reduce_sum3A_66 = vector.shape_cast %reduce_sum3A_65 : vector<1xf32> to vector<1x1x1xf32>
      %reduce_sum3A_67 = vector.extract %reduce_sum3A_66[0, 0, 0] : f32 from vector<1x1x1xf32>
      %jit3A_68 = arith.constant 0.000000e+00 : f32
      %broadcast_in_dim3A_69 = vector.broadcast %jit3A_68 : f32 to vector<47x128xf32>
      %select_n3A_70 = arith.select %eq3A_47, %get3A_13, %broadcast_in_dim3A_69 : vector<47x128xi1>, vector<47x128xf32>
      %reduce_sum3A_71 = vector.shape_cast %select_n3A_70 : vector<47x128xf32> to vector<1x47x128xf32>
      %reduce_sum3A_72 = arith.constant dense<0.000000e+00> : vector<1xf32>
      %reduce_sum3A_73 = vector.multi_reduction <add>, %reduce_sum3A_71, %reduce_sum3A_72 [1, 2] : vector<1x47x128xf32> to vector<1xf32>
      %reduce_sum3A_74 = vector.shape_cast %reduce_sum3A_73 : vector<1xf32> to vector<1x1x1xf32>
      %reduce_sum3A_75 = vector.extract %reduce_sum3A_74[0, 0, 0] : f32 from vector<1x1x1xf32>
      %jit3A_76 = arith.constant 0.000000e+00 : f32
      %broadcast_in_dim3A_77 = vector.broadcast %jit3A_76 : f32 to vector<47x128xf32>
      %select_n3A_78 = arith.select %eq3A_47, %get3A_18, %broadcast_in_dim3A_77 : vector<47x128xi1>, vector<47x128xf32>
      %reduce_sum3A_79 = vector.shape_cast %select_n3A_78 : vector<47x128xf32> to vector<1x47x128xf32>
      %reduce_sum3A_80 = arith.constant dense<0.000000e+00> : vector<1xf32>
      %reduce_sum3A_81 = vector.multi_reduction <add>, %reduce_sum3A_79, %reduce_sum3A_80 [1, 2] : vector<1x47x128xf32> to vector<1xf32>
      %reduce_sum3A_82 = vector.shape_cast %reduce_sum3A_81 : vector<1xf32> to vector<1x1x1xf32>
      %reduce_sum3A_83 = vector.extract %reduce_sum3A_82[0, 0, 0] : f32 from vector<1x1x1xf32>
      %eq3A_84 = arith.constant 1 : i32
      %eq3A_85 = arith.cmpi eq, %reduce_sum3A_51, %eq3A_84 : i32
      %convert_element_type3A_86 = arith.extui %eq3A_85 : i1 to i32
      %cond3A = arith.constant 0 : i32
      %cond3A_87 = arith.cmpi ne, %convert_element_type3A_86, %cond3A : i32
      %cond3A_88:5 = scf.if %cond3A_87 -> (f32, f32, f32, f32, vector<47x128xi32>) {
        %jit3A_147 = arith.constant -2147483648 : i32
        %broadcast_in_dim3A_148 = vector.broadcast %jit3A_147 : i32 to vector<47x128xi32>
        %select_n3A_149 = arith.select %eq3A_47, %broadcast_in_dim3A_148, %scan3A_40 : vector<47x128xi1>, vector<47x128xi32>
        scf.yield %reduce_sum3A_59, %reduce_sum3A_67, %reduce_sum3A_75, %reduce_sum3A_83, %select_n3A_149 : f32, f32, f32, f32, vector<47x128xi32>
      } else {
        %jit3A_147 = arith.constant 1073741824 : i32
        %broadcast_in_dim3A_148 = vector.broadcast %jit3A_147 : i32 to vector<47x128xi32>
        %select_n3A_149 = arith.select %eq3A_47, %add3A, %broadcast_in_dim3A_148 : vector<47x128xi1>, vector<47x128xi32>
        %reduce_min3A = vector.shape_cast %select_n3A_149 : vector<47x128xi32> to vector<1x47x128xi32>
        %reduce_min3A_150 = arith.constant dense<2147483647> : vector<1xi32>
        %reduce_min3A_151 = vector.multi_reduction <minsi>, %reduce_min3A, %reduce_min3A_150 [1, 2] : vector<1x47x128xi32> to vector<1xi32>
        %reduce_min3A_152 = vector.shape_cast %reduce_min3A_151 : vector<1xi32> to vector<1x1x1xi32>
        %reduce_min3A_153 = vector.extract %reduce_min3A_152[0, 0, 0] : i32 from vector<1x1x1xi32>
        %eq3A_154 = vector.broadcast %reduce_min3A_153 : i32 to vector<47x128xi32>
        %eq3A_155 = arith.cmpi eq, %add3A, %eq3A_154 : vector<47x128xi32>
        %jit3A_156 = arith.constant 0.000000e+00 : f32
        %broadcast_in_dim3A_157 = vector.broadcast %jit3A_156 : f32 to vector<47x128xf32>
        %select_n3A_158 = arith.select %eq3A_155, %get3A_3, %broadcast_in_dim3A_157 : vector<47x128xi1>, vector<47x128xf32>
        %reduce_sum3A_159 = vector.shape_cast %select_n3A_158 : vector<47x128xf32> to vector<1x47x128xf32>
        %reduce_sum3A_160 = arith.constant dense<0.000000e+00> : vector<1xf32>
        %reduce_sum3A_161 = vector.multi_reduction <add>, %reduce_sum3A_159, %reduce_sum3A_160 [1, 2] : vector<1x47x128xf32> to vector<1xf32>
        %reduce_sum3A_162 = vector.shape_cast %reduce_sum3A_161 : vector<1xf32> to vector<1x1x1xf32>
        %reduce_sum3A_163 = vector.extract %reduce_sum3A_162[0, 0, 0] : f32 from vector<1x1x1xf32>
        %jit3A_164 = arith.constant 0.000000e+00 : f32
        %broadcast_in_dim3A_165 = vector.broadcast %jit3A_164 : f32 to vector<47x128xf32>
        %select_n3A_166 = arith.select %eq3A_155, %get3A_8, %broadcast_in_dim3A_165 : vector<47x128xi1>, vector<47x128xf32>
        %reduce_sum3A_167 = vector.shape_cast %select_n3A_166 : vector<47x128xf32> to vector<1x47x128xf32>
        %reduce_sum3A_168 = arith.constant dense<0.000000e+00> : vector<1xf32>
        %reduce_sum3A_169 = vector.multi_reduction <add>, %reduce_sum3A_167, %reduce_sum3A_168 [1, 2] : vector<1x47x128xf32> to vector<1xf32>
        %reduce_sum3A_170 = vector.shape_cast %reduce_sum3A_169 : vector<1xf32> to vector<1x1x1xf32>
        %reduce_sum3A_171 = vector.extract %reduce_sum3A_170[0, 0, 0] : f32 from vector<1x1x1xf32>
        %jit3A_172 = arith.constant 0.000000e+00 : f32
        %broadcast_in_dim3A_173 = vector.broadcast %jit3A_172 : f32 to vector<47x128xf32>
        %select_n3A_174 = arith.select %eq3A_155, %get3A_13, %broadcast_in_dim3A_173 : vector<47x128xi1>, vector<47x128xf32>
        %reduce_sum3A_175 = vector.shape_cast %select_n3A_174 : vector<47x128xf32> to vector<1x47x128xf32>
        %reduce_sum3A_176 = arith.constant dense<0.000000e+00> : vector<1xf32>
        %reduce_sum3A_177 = vector.multi_reduction <add>, %reduce_sum3A_175, %reduce_sum3A_176 [1, 2] : vector<1x47x128xf32> to vector<1xf32>
        %reduce_sum3A_178 = vector.shape_cast %reduce_sum3A_177 : vector<1xf32> to vector<1x1x1xf32>
        %reduce_sum3A_179 = vector.extract %reduce_sum3A_178[0, 0, 0] : f32 from vector<1x1x1xf32>
        %jit3A_180 = arith.constant 0.000000e+00 : f32
        %broadcast_in_dim3A_181 = vector.broadcast %jit3A_180 : f32 to vector<47x128xf32>
        %select_n3A_182 = arith.select %eq3A_155, %get3A_18, %broadcast_in_dim3A_181 : vector<47x128xi1>, vector<47x128xf32>
        %reduce_sum3A_183 = vector.shape_cast %select_n3A_182 : vector<47x128xf32> to vector<1x47x128xf32>
        %reduce_sum3A_184 = arith.constant dense<0.000000e+00> : vector<1xf32>
        %reduce_sum3A_185 = vector.multi_reduction <add>, %reduce_sum3A_183, %reduce_sum3A_184 [1, 2] : vector<1x47x128xf32> to vector<1xf32>
        %reduce_sum3A_186 = vector.shape_cast %reduce_sum3A_185 : vector<1xf32> to vector<1x1x1xf32>
        %reduce_sum3A_187 = vector.extract %reduce_sum3A_186[0, 0, 0] : f32 from vector<1x1x1xf32>
        %jit3A_188 = arith.constant -2147483648 : i32
        %broadcast_in_dim3A_189 = vector.broadcast %jit3A_188 : i32 to vector<47x128xi32>
        %select_n3A_190 = arith.select %eq3A_155, %broadcast_in_dim3A_189, %scan3A_40 : vector<47x128xi1>, vector<47x128xi32>
        scf.yield %reduce_sum3A_163, %reduce_sum3A_171, %reduce_sum3A_179, %reduce_sum3A_187, %select_n3A_190 : f32, f32, f32, f32, vector<47x128xi32>
      }
      %sub3A_89 = arith.subf %cond3A_88#2, %cond3A_88#0 : f32
      %sub3A_90 = arith.subf %cond3A_88#3, %cond3A_88#1 : f32
      %mul3A_91 = arith.mulf %sub3A_89, %sub3A_90 : f32
      %max3A = vector.broadcast %cond3A_88#0 : f32 to vector<47x128xf32>
      %max3A_92 = arith.maximumf %max3A, %get3A_3 : vector<47x128xf32>
      %max3A_93 = vector.broadcast %cond3A_88#1 : f32 to vector<47x128xf32>
      %max3A_94 = arith.maximumf %max3A_93, %get3A_8 : vector<47x128xf32>
      %min3A = vector.broadcast %cond3A_88#2 : f32 to vector<47x128xf32>
      %min3A_95 = arith.minimumf %min3A, %get3A_13 : vector<47x128xf32>
      %min3A_96 = vector.broadcast %cond3A_88#3 : f32 to vector<47x128xf32>
      %min3A_97 = arith.minimumf %min3A_96, %get3A_18 : vector<47x128xf32>
      %sub3A_98 = arith.subf %min3A_95, %max3A_92 : vector<47x128xf32>
      %max3A_99 = arith.constant 0.000000e+00 : f32
      %max3A_100 = vector.broadcast %max3A_99 : f32 to vector<47x128xf32>
      %max3A_101 = arith.maximumf %sub3A_98, %max3A_100 : vector<47x128xf32>
      %sub3A_102 = arith.subf %min3A_97, %max3A_94 : vector<47x128xf32>
      %max3A_103 = arith.constant 0.000000e+00 : f32
      %max3A_104 = vector.broadcast %max3A_103 : f32 to vector<47x128xf32>
      %max3A_105 = arith.maximumf %sub3A_102, %max3A_104 : vector<47x128xf32>
      %mul3A_106 = arith.mulf %max3A_101, %max3A_105 : vector<47x128xf32>
      %add3A_107 = vector.broadcast %mul3A_91 : f32 to vector<47x128xf32>
      %add3A_108 = arith.addf %add3A_107, %mul3A_30 : vector<47x128xf32>
      %sub3A_109 = arith.subf %add3A_108, %mul3A_106 : vector<47x128xf32>
      %add3A_110 = arith.constant 9.99999971E-10 : f32
      %add3A_111 = vector.broadcast %add3A_110 : f32 to vector<47x128xf32>
      %add3A_112 = arith.addf %sub3A_109, %add3A_111 : vector<47x128xf32>
      %div3A = arith.divf %mul3A_106, %add3A_112 : vector<47x128xf32>
      %le3A = arith.constant 0.699999988 : f32
      %le3A_113 = vector.broadcast %le3A : f32 to vector<47x128xf32>
      %le3A_114 = arith.cmpf ole, %div3A, %le3A_113 : vector<47x128xf32>
      %and3A = vector.broadcast %gt3A_46 : i1 to vector<47x128xi1>
      %and3A_115 = arith.andi %le3A_114, %and3A : vector<47x128xi1>
      %jit3A_116 = arith.constant -2147483648 : i32
      %broadcast_in_dim3A_117 = vector.broadcast %jit3A_116 : i32 to vector<47x128xi32>
      %select_n3A_118 = arith.select %and3A_115, %cond3A_88#4, %broadcast_in_dim3A_117 : vector<47x128xi1>, vector<47x128xi32>
      %eq3A_119 = arith.constant 0 : i32
      %eq3A_120 = vector.broadcast %eq3A_119 : i32 to vector<1x128xi32>
      %eq3A_121 = arith.cmpi eq, %iota3A_31, %eq3A_120 : vector<1x128xi32>
      %eq3A_122 = arith.constant 1 : i32
      %eq3A_123 = vector.broadcast %eq3A_122 : i32 to vector<1x128xi32>
      %eq3A_124 = arith.cmpi eq, %iota3A_31, %eq3A_123 : vector<1x128xi32>
      %eq3A_125 = arith.constant 2 : i32
      %eq3A_126 = vector.broadcast %eq3A_125 : i32 to vector<1x128xi32>
      %eq3A_127 = arith.cmpi eq, %iota3A_31, %eq3A_126 : vector<1x128xi32>
      %eq3A_128 = arith.constant 3 : i32
      %eq3A_129 = vector.broadcast %eq3A_128 : i32 to vector<1x128xi32>
      %eq3A_130 = arith.cmpi eq, %iota3A_31, %eq3A_129 : vector<1x128xi32>
      %jit3A_131 = arith.constant 0.000000e+00 : f32
      %broadcast_in_dim3A_132 = vector.broadcast %cond3A_88#3 : f32 to vector<1x128xf32>
      %broadcast_in_dim3A_133 = vector.broadcast %jit3A_131 : f32 to vector<1x128xf32>
      %select_n3A_134 = arith.select %eq3A_130, %broadcast_in_dim3A_132, %broadcast_in_dim3A_133 : vector<1x128xi1>, vector<1x128xf32>
      %broadcast_in_dim3A_135 = vector.broadcast %cond3A_88#2 : f32 to vector<1x128xf32>
      %select_n3A_136 = arith.select %eq3A_127, %broadcast_in_dim3A_135, %select_n3A_134 : vector<1x128xi1>, vector<1x128xf32>
      %broadcast_in_dim3A_137 = vector.broadcast %cond3A_88#1 : f32 to vector<1x128xf32>
      %select_n3A_138 = arith.select %eq3A_124, %broadcast_in_dim3A_137, %select_n3A_136 : vector<1x128xi1>, vector<1x128xf32>
      %broadcast_in_dim3A_139 = vector.broadcast %cond3A_88#0 : f32 to vector<1x128xf32>
      %select_n3A_140 = arith.select %eq3A_121, %broadcast_in_dim3A_139, %select_n3A_138 : vector<1x128xi1>, vector<1x128xf32>
      %eq3A_141 = arith.constant 0 : i32
      %eq3A_142 = arith.cmpi eq, %scan3A_39, %eq3A_141 : i32
      %select_n3A_143 = arith.select %eq3A_142, %select_n3A_140, %scan3A_41 : vector<1x128xf32>
      %select_n3A_144 = arith.select %gt3A_46, %select_n3A_140, %select_n3A_143 : vector<1x128xf32>
      %swap3A = arith.index_cast %scan3A_39 : i32 to index
      %swap3A_145 = arith.constant 0 : index
      %swap3A_146 = vector.load %arg1[%swap3A, %swap3A_145] : memref<300x128xf32, #tpu.memory_space<vmem>>, vector<1x128xf32>
      tpu.vector_store %arg1[%swap3A, %swap3A_145], %select_n3A_144 {strides = array<i32>} : memref<300x128xf32, #tpu.memory_space<vmem>>, vector<1x128xf32>,
      scf.yield %select_n3A_118, %select_n3A_143 : vector<47x128xi32>, vector<1x128xf32>
    }
    %scan3A_38 = arith.constant 300 : i32
    return
  }
}

</mosaic_0001>

<sc_bundles>
// kernel: kernel.5.cloned.1.call-start
scs
__scs_entry_jumppad:
0x0: {  	(pc) =	sbr.rel $0x88, $3  }
0x1: {  	(tag) =	ssettag $0x0;
	lr =	simm.s32 $0x1  }
0x2: {  	[smem:$0x3F98] =	sst lr;
	_ =	strace $0xD0000000  }
0x3: {  	_ = 	snop  }
0x4: {  	_ = 	snop  }
0x5: {  	_ = 	snop  }
0x6: {  	_ = 	snop  }
0x7: {  	_ = 	snop  }
__scs_overlays_trampoline_lowered:
0x8: {  	[smem:$0x3FA7] =	sst s0  }
0x9: {  	[smem:$0x3FA8] =	sst s1  }
0xa: {  	[smem:$0x3FA9] =	sst s2  }
0xb: {  	[smem:$0x3FAA] =	sst s3  }
0xc: {  	[smem:$0x3FAB] =	sst s4  }
0xd: {  	[smem:$0x3FAC] =	sst s5  }
0xe: {  	[smem:$0x3FAD] =	sst s6  }
0xf: {  	[smem:$0x3FAE] =	sst s7  }
0x10: {  	[smem:$0x3FAF] =	sst s8  }
0x11: {  	[smem:$0x3FB0] =	sst s9;
	s0 =	simm.s32 @!p0 $0x0  }
0x12: {  	s1 =	sld [smem:$0x3F96];
	s0 =	simm.s32 @p0 $0x1  }
0x13: {  	[smem:$0x3FB1] =	sst s0;
	s0 =	simm.s32 @!p1 $0x0  }
0x14: {  	s2 =	sld [smem:$0x3F95];
	s0 =	simm.s32 @p1 $0x1  }
0x15: {  	[smem:$0x3FB2] =	sst s0;
	s0 =	simm.s32 @!p2 $0x0  }
0x16: {  	s3 =	sld [smem:$0x3FDB];
	s0 =	simm.s32 @p2 $0x1  }
0x17: {  	s4 =	simm.s32 $0x1BF5;
	[smem:$0x3FB4] =	sst s0  }
0x18: {  	s0 =	sld [smem:$0x3F97];
	_ =	swait.ge [sflag:s4], $0x0  }
0x19: {  	s7 =	sld [smem:$0x3F98]  }
0x1a: {  	s8 =	sadd.s32 $0xFFFFE003, lr  }
0x1b: {  	s9 =	sadd.s32 $0xFFFFFEF7, lr;
	s5 =	simm.s32 $0xFFFFFFFF;
	p2 =	slt.u32 s8, $0xFFFFF086  }
0x1c: {  	p1 =	slt.u32 s9, $0xF7A;
	s5 =	simm.s32 @!p2 $0x0  }
0x1d: {  	s5 =	simm.s32 @p1 $0x1;
	p0 =	seq.s32 s7, s2  }
0x1e: {  	s7 =	smul.u32 @!p0 $0xF7A, s2;
	p2 =	seq.s32 @!p0 s5, $0x0  }
0x1f: {  	s9 =	smul.u32 $0xF7A, s1;
	s8 =	simm.s32 @!p0 $0x1BF5;
	p2 =	por !p2, p0  }
0x20: {  	[sflag:s8] =	ssyncset.s32 @!p0 $0xFFFFF086;
	s6 =	sadd.s32 @!p0 s3, s7;
	s7 =	simm.s32 @!p0 $0x108  }
0x21: {  	s3 =	sadd.s32 s3, s9;
	s6 =	sadd.s32 @!p0 $0x88, s6;
	s7 =	simm.s32 @p2 $0x1082  }
0x22: {  	[simem:s7], [sflag:s8] =	dma.local @!p0 [hbm:s6], $0xF7A  }
0x23: {  	s9 =	sor.u32 $0xD0000000, s2;
	s6 =	simm.s32 $0x108;
	_ =	swait.ge @!p0 [sflag:s8], $0x0  }
0x24: {  	s3 =	sadd.s32 $0x88, s3;
	s6 =	simm.s32 @!p1 $0x1082;
	[sflag:s4] =	ssyncset.s32 $0xFFFFF086  }
0x25: {  	[simem:s6], [sflag:s4] =	dma.local [hbm:s3], $0xF7A  }
0x26: {  	[smem:$0x3F98] =	sst s1;
	(tag) =	ssettag s2;
	_ =	strace s9  }
0x27: {  	s1 =	sld [smem:$0x3FA8]  }
0x28: {  	s2 =	sld [smem:$0x3FA9]  }
0x29: {  	s4 =	sld [smem:$0x3FAB]  }
0x2a: {  	p0 =	seq.s32 s5, $0x0;
	s5 =	sld [smem:$0x3FAC]  }
0x2b: {  	s6 =	sld [smem:$0x3FAD]  }
0x2c: {  	s7 =	sld [smem:$0x3FAE]  }
0x2d: {  	s3 =	simm.s32 $0x108;
	s8 =	sld [smem:$0x3FAF]  }
0x2e: {  	s3 =	simm.s32 @!p0 $0x1082;
	s9 =	sld [smem:$0x3FB0]  }
0x2f: {  	lr =	sadd.s32 s0, s3;
	s0 =	sld [smem:$0x3FA7]  }
0x30: {  	s3 =	sld [smem:$0x3FAA]  }
0x31: {  	[smem:$0x3FB3] =	sst s10  }
0x32: {  	s10 =	sld [smem:$0x3FB1];
	_ =	sdelay $0x3  }
0x33: {  	p0 =	seq.s32 s10, $0x1;
	s10 =	sld [smem:$0x3FB3];
	_ =	sdelay $0x3  }
0x34: {  	[smem:$0x3FB3] =	sst s10  }
0x35: {  	s10 =	sld [smem:$0x3FB2];
	_ =	sdelay $0x3  }
0x36: {  	p1 =	seq.s32 s10, $0x1;
	s10 =	sld [smem:$0x3FB3];
	_ =	sdelay $0x3  }
0x37: {  	[smem:$0x3FB3] =	sst s10  }
0x38: {  	s10 =	sld [smem:$0x3FB4]  }
0x39: {  	_ = 	snop;
	(pc) =	sbr.ind lr, $3  }
0x3a: {  	_ = 	snop  }
0x3b: {  	_ = 	snop  }
0x3c: {  	p2 =	seq.s32 s10, $0x1;
	s10 =	sld [smem:$0x3FB3]  }
0x3d: {  	_ =	shalt  }
0x3e: {  	_ =	shalt  }
0x3f: {  	_ =	shalt  }
0x40: {  	_ =	shalt  }
0x41: {  	_ =	shalt  }
0x42: {  	_ =	shalt  }
0x43: {  	_ =	shalt  }
0x44: {  	_ =	shalt  }
0x45: {  	_ =	shalt  }
0x46: {  	_ =	shalt  }
0x47: {  	_ =	shalt  }
0x48: {  	_ =	shalt  }
0x49: {  	_ =	shalt  }
0x4a: {  	_ =	shalt  }
0x4b: {  	_ =	shalt  }
0x4c: {  	_ =	shalt  }
0x4d: {  	_ =	shalt  }
0x4e: {  	_ =	shalt  }
0x4f: {  	_ =	shalt  }
0x50: {  	_ =	shalt  }
0x51: {  	_ =	shalt  }
0x52: {  	_ =	shalt  }
0x53: {  	_ =	shalt  }
0x54: {  	_ =	shalt  }
0x55: {  	_ =	shalt  }
0x56: {  	_ =	shalt  }
0x57: {  	_ =	shalt  }
0x58: {  	_ =	shalt  }
0x59: {  	_ =	shalt  }
0x5a: {  	_ =	shalt  }
0x5b: {  	_ =	shalt  }
0x5c: {  	_ =	shalt  }
0x5d: {  	_ =	shalt  }
0x5e: {  	_ =	shalt  }
0x5f: {  	_ =	shalt  }
0x60: {  	_ =	shalt  }
0x61: {  	_ =	shalt  }
0x62: {  	_ =	shalt  }
0x63: {  	_ =	shalt  }
0x64: {  	_ =	shalt  }
0x65: {  	_ =	shalt  }
0x66: {  	_ =	shalt  }
0x67: {  	_ =	shalt  }
0x68: {  	_ =	shalt  }
0x69: {  	_ =	shalt  }
0x6a: {  	_ =	shalt  }
0x6b: {  	_ =	shalt  }
0x6c: {  	_ =	shalt  }
0x6d: {  	_ =	shalt  }
0x6e: {  	_ =	shalt  }
0x6f: {  	_ =	shalt  }
0x70: {  	_ =	shalt  }
0x71: {  	_ =	shalt  }
0x72: {  	_ =	shalt  }
0x73: {  	_ =	shalt  }
0x74: {  	_ =	shalt  }
0x75: {  	_ =	shalt  }
0x76: {  	_ =	shalt  }
0x77: {  	_ =	shalt  }
0x78: {  	_ =	shalt  }
0x79: {  	_ =	shalt  }
0x7a: {  	_ =	shalt  }
0x7b: {  	_ =	shalt  }
0x7c: {  	_ =	shalt  }
0x7d: {  	_ =	shalt  }
0x7e: {  	_ =	shalt  }
0x7f: {  	_ =	shalt  }
0x80: {  	_ =	shalt  }
0x81: {  	_ =	shalt  }
0x82: {  	_ =	shalt  }
0x83: {  	_ =	shalt  }
0x84: {  	_ =	shalt  }
0x85: {  	_ =	shalt  }
0x86: {  	_ =	shalt  }
0x87: {  	_ =	shalt  }
.Lfunc_end0:
.L_simem_size_0:
called_computation_lowered:
.L_overlay_start_0:
0x88: {  	s2 =	sld [smem:$0x3FD9]  }
0x89: {  	s3 =	sld [smem:$0x3FFE];
	_ =	sdelay $0x1  }
0x8a: {  	s1 =	srdreg.scid  }
0x8b: {  	s0 =	sand.u32 $0x1, s1  }
0x8c: {  	s16 =	sshll.u32 s0, $0xA;
	s2 =	sadd.s32 s3, s2  }
0x8d: {  	s2 =	sadd.s32 s2, s16  }
0x8e: {  	[smem:$0x3FBF] =	sst s2  }
0x8f: {  	_ = 	snop  }
0x90: {  	(tm) =	ssettm $0x1  }
0x91: {  	s17 =	sld [smem:$0x3FFB];
	_ =	sdelay $0x3  }
0x92: {  	_ =	strace s17  }
0x93: {  	s2 =	sld [smem:$0x3FFC];
	_ =	sdelay $0x3  }
0x94: {  	_ =	strace s2  }
0x95: {  	s2 =	sld [smem:$0x3FFD];
	_ =	sdelay $0x3  }
0x96: {  	_ =	strace s2  }
0x97: {  	_ =	strace $0x8FFFFFFF  }
0x98: {  	s18 =	sld [smem:$0x3FDB];
	_ =	sdelay $0x1  }
0x99: {  	s19 =	simm.s32 $_scs_section_size  }
0x9a: {  	s4 =	simm.s32 $_size__tile_overlayer_lowered;
	s5 =	simm.s32 $_tile_overlayer_lowered  }
0x9b: {  	s22 =	simm.s32 $0x1BFF;
	s21 =	sshll.u32 s5, $0x1;
	s2 =	sadd.s32 s19, s18  }
0x9c: {  	s6 =	simm.s32 $0x0;
	s20 =	sshll.u32 s4, $0x1;
	s4 =	sadd.s32 s21, s2  }
0x9d: {  	[timem:s6], [sflag:s22] =	dma.local [hbm:s4], s20  }
0x9e: {  	_ =	swait.ge [sflag:s22], s20  }
0x9f: {  	s3 =	ssub.s32 $0x0, s20;
	[sflag:s22] =	ssyncset.done $0x0  }
0xa0: {  	[sflag:s22] =	ssyncadd.s32 s3;
	_ =	sdelay $0x1  }
0xa1: {  	s23 =	simm.s32 $0x1B8B  }
0xa2: {  	_ =	swait.ge [sflag:s23], $0x1  }
0xa3: {  	[sflag:s23] =	ssyncset.done $0x0  }
0xa4: {  	s25 =	simm.s32 $0x1B8E;
	s24 =	sld [smem:$0x3FFE];
	[sflag:s23] =	ssyncadd.s32 $0xFFFFFFFF  }
0xa5: {  	s26 =	simm.s32 $execute0_lowered;
	[smem:$0x3FD2] =	sst s25  }
0xa6: {  	s4 =	sshll.u32 s26, $0x1;
	_ =	strace $0x80000046;
	[dreg:$0x1] =	wrdreg $0xFFFFFFFF  }
0xa7: {  	s28 =	simm.s32 $_size_execute0_lowered;
	s2 =	sadd.s32 s2, s4;
	[dreg:$0x0] =	wrdreg $0x0  }
0xa8: {  	s4 =	sshll.u32 s28, $0x1;
	[dreg:$0x2] =	wrdreg s2  }
0xa9: {  	[dreg:$0x3] =	wrdreg s4  }
0xaa: {  	[dreg:$0x4] =	wrdreg $0xC0  }
0xab: {  	_ =	task [dreg:s6], $0x5FFFF  }
0xac: {  	[dreg:$0x1] =	wrdreg $0xFFFFFFFF  }
0xad: {  	[dreg:$0x0] =	wrdreg $0x60  }
0xae: {  	[dreg:$0x2] =	wrdreg s24  }
0xaf: {  	[dreg:$0x3] =	wrdreg $0x9  }
0xb0: {  	_ =	task.clear_ibuf [dreg:s6], $0x4FFFF;
	_ =	strace $0x90000046  }
0xb1: {  	s29 =	simm.s32 $0x9;
	_ =	strace $0x80000048  }
0xb2: {  	_ =	swait.ge [sflag:s29], $0x1  }
0xb3: {  	[sflag:s29] =	ssyncadd.s32 $0xFFFFFFFF  }
0xb4: {  	_ =	strace $0x90000048  }
0xb5: {  	_ =	sfence  }
0xb6: {  	s30 =	sld [smem:$0x0];
	_ =	sdelay $0x2  }
0xb7: {  	s31 =	sshll.u32 s1, $0xD;
	s1 =	sshrl.u32 s1, $0x2  }
0xb8: {  	s3 =	sand.u32 $0x4000, s31;
	s1 =	sadd.s32 s1, s30  }
0xb9: {  	s0 =	sor.u32 s3, s0;
	s1 =	sshll.u32 s1, $0x11  }
0xba: {  	s0 =	sor.u32 s1, s0  }
0xbb: {  	s0 =	sadd.s32 $0x8F2B, s0  }
0xbc: {  	[sflag:s0] =	ssyncadd.remote.s32 $0x1  }
0xbd: {  	_ =	sfence.sel $0xFFFF  }
0xbe: {  	[dreg:$0x0] =	wrdreg $0xFFFFFFFF;
	(pc) =	sbr.abs _section_cstart, $3  }
0xbf: {  	[dreg:$0x1] =	wrdreg $0xFFFFFFFF  }
0xc0: {  	_ =	task.clear_ibuf [dreg:s6], $0x2FFFF;
	_ =	strace $0x9FFFFFFF  }
0xc1: {  	(tm) =	ssettm $0x7FFFFFFF  }
tec
execute0_lowered:
.L_overlay_start_1:
0x0: {  	(tag) =	ssettag $0x1  }
0x1: {  	s13 =	rddreg [dreg:$0x0]  }
0x2: {  	s0 =	rddreg [dreg:$0x1];
	s1 =	simm.s32 $0x0  }
0x3: {  	s3 =	srdreg.scid;
	s15 =	simm.s32 $0x5800;
	s16 =	simm.s32 $0x1  }
0x4: {  	s17 =	simm.s32 $0xB000;
	[smem:$0x7FF] =	sst s1;
	s2 =	sadd.s32 $0x1600, s13  }
0x5: {  	s6 =	sand.u32 $0x1, s3;
	s4 =	sadd.s32 $0x4E00, s13;
	s5 =	sadd.s32 $0x5A00, s13  }
0x6: {  	s3 =	stileid.u32;
	s9 =	sadd.s32 $0x5FE0, s13;
	s10 =	sadd.s32 $0x3700, s13  }
0x7: {  	s11 =	sadd.s32 $0x62D0, s13;
	s12 =	sadd.s32 $0x4200, s13;
	s7 =	ssub.s32 $0x2, s6  }
0x8: {  	_ =	strace $0x80000047;
	s6 =	sshll.u32 s6, $0x4;
	s8 =	sshrl.u32 s7, $0x1  }
.Ltmp0:
0x9: {  	s18 =	sor.u32 s3, s6;
	s6 =	sadd.s32 $0x2100, s13;
	(pc) =	sbr.rel .LBB2_1-.Ltmp0, $4  }
0xa: {  	s14 =	ssub.s32 s7, s8;
	s7 =	sadd.s32 $0x5CF0, s13;
	s8 =	sadd.s32 $0x2C00, s13  }
0xb: {  	s13 =	sadd.s32 $0x65C0, s13;
	p0 =	sgt.s32 s18, $0x1;
	p1 =	seq.s32 s18, $0x0  }
0xc: {  	p2 =	seq.s32 s18, $0x1;
	p3 =	seq.s32 s18, $0x2;
	p4 =	seq.s32 s18, $0x3  }
0xd: {  	p5 =	seq.s32 s18, $0x4;
	s18 =	simm.s32 $0x0;
	s14 =	smax.u32 s14, $0x1  }
.LBB2_22:
0xe: {  	_ =	swait.ge [sflag:s16], $0x1780  }
0xf: {  	[sflag:s16] =	ssyncset.done $0x0  }
0x10: {  	[sflag:s16] =	ssyncadd.s32 $0xFFFFE880  }
.LBB2_23:
0x11: {  	s18 =	sadd.s32 $0x1, s18  }
0x12: {  	p6 =	sne.s32 s18, s14  }
.Ltmp1:
0x13: {  	_ = 	snop;
	(pc) =	sbr.rel @!p6 .LBB2_24-.Ltmp1, $1  }
0x14: {  	_ =	sdelay $0x3  }
.LBB2_1:
.Ltmp2:
0x15: {  	(pc) =	sbr.rel @!p0 .LBB2_2-.Ltmp2, $1  }
0x16: {  	_ =	sdelay $0x3  }
.Ltmp3:
0x17: {  	(pc) =	sbr.rel @p3 .LBB2_16-.Ltmp3, $1  }
0x18: {  	_ =	sdelay $0x3  }
.Ltmp4:
0x19: {  	(pc) =	sbr.rel @p4 .LBB2_19-.Ltmp4, $1  }
0x1a: {  	_ =	sdelay $0x3  }
.Ltmp5:
0x1b: {  	(pc) =	sbr.rel @!p5 .LBB2_23-.Ltmp5, $1  }
0x1c: {  	_ =	sdelay $0x3  }
0x1d: {  	s19 =	simm.s32 $0x0  }
0x1e: {  	[tilespmem:s15], [sflag:$0x1] =	stream.linear.gather [hbm4b:s4+s19], $0x5800, $0x38;
	[tilespmem:$0xC780] =	vst v63  }
0x1f: {  	_ =	swait.ge [sflag:s16], $0x5800  }
0x20: {  	[sflag:s16] =	ssyncset.done $0x0  }
0x21: {  	[sflag:s16] =	ssyncadd.s32 $0xFFFFA800  }
0x22: {  	[tilespmem:s19], [sflag:$0x1] =	stream.linear.gather [hbm4b:s12+s19], $0x5800, $0x38;
	[tilespmem:$0xC780] =	vst v63  }
0x23: {  	_ =	swait.ge [sflag:s16], $0x5800  }
0x24: {  	[sflag:s16] =	ssyncset.done $0x0  }
0x25: {  	s20 =	simm.s32 $0x0;
	s19 =	simm.s32 $0x40;
	[sflag:s16] =	ssyncadd.s32 $0xFFFFA800  }
.LBB2_11:
0x26: {  	p6 =	sne.s32 s19, $0x15FC0;
	v0 =	vld [tilespmem:s20+$0x5800];
	_ =	sdelay $0x2  }
0x27: {  	v1 =	vld [tilespmem:s20+$0x0]  }
.Ltmp6:
0x28: {  	(pc) =	sbr.rel @p6 .LBB2_11-.Ltmp6, $2  }
0x29: {  	_ =	sdelay $0x2  }
0x2a: {  	s20 =	sshra.s32 s19, $0x2;
	s19 =	sadd.s32 $0x40, s19;
	[tilespmem:v0+s17+$0x0] =	vst.idx.msk $0xffff, v1  }
0x2b: {  	v0 =	vld [tilespmem:s20+$0x5800];
	_ =	sdelay $0x2  }
0x2c: {  	v1 =	vld [tilespmem:s20+$0x0];
	_ =	sdelay $0x1  }
.Ltmp7:
0x2d: {  	_ = 	snop;
	(pc) =	sbr.rel .LBB2_22-.Ltmp7, $3  }
0x2e: {  	_ =	sdelay $0x1  }
0x2f: {  	[tilespmem:v0+s17+$0x0] =	vst.idx.msk $0xffff, v1  }
0x30: {  	[hbm4b:s13+s1] =	stream.linear.scatter [tilespmem:s17], [sflag:$0x1], $0x1780, $0x38;
	[tilespmem:$0xC780] =	vst v63  }
.LBB2_2:
.Ltmp8:
0x31: {  	(pc) =	sbr.rel @p1 .LBB2_13-.Ltmp8, $1  }
0x32: {  	_ =	sdelay $0x3  }
.Ltmp9:
0x33: {  	(pc) =	sbr.rel @!p2 .LBB2_23-.Ltmp9, $1  }
0x34: {  	_ =	sdelay $0x3  }
0x35: {  	s19 =	simm.s32 $0x0  }
0x36: {  	[tilespmem:s15], [sflag:$0x1] =	stream.linear.gather [hbm4b:s4+s19], $0x5800, $0x38;
	[tilespmem:$0xC780] =	vst v63  }
0x37: {  	_ =	swait.ge [sflag:s16], $0x5800  }
0x38: {  	[sflag:s16] =	ssyncset.done $0x0  }
0x39: {  	[sflag:s16] =	ssyncadd.s32 $0xFFFFA800  }
0x3a: {  	[tilespmem:s19], [sflag:$0x1] =	stream.linear.gather [hbm4b:s6+s19], $0x5800, $0x38;
	[tilespmem:$0xC780] =	vst v63  }
0x3b: {  	_ =	swait.ge [sflag:s16], $0x5800  }
0x3c: {  	[sflag:s16] =	ssyncset.done $0x0  }
0x3d: {  	s20 =	simm.s32 $0x0;
	s19 =	simm.s32 $0x40;
	[sflag:s16] =	ssyncadd.s32 $0xFFFFA800  }
.LBB2_5:
0x3e: {  	p6 =	sne.s32 s19, $0x15FC0;
	v0 =	vld [tilespmem:s20+$0x5800];
	_ =	sdelay $0x2  }
0x3f: {  	v1 =	vld [tilespmem:s20+$0x0]  }
.Ltmp10:
0x40: {  	(pc) =	sbr.rel @p6 .LBB2_5-.Ltmp10, $2  }
0x41: {  	_ =	sdelay $0x2  }
0x42: {  	s20 =	sshra.s32 s19, $0x2;
	s19 =	sadd.s32 $0x40, s19;
	[tilespmem:v0+s17+$0x0] =	vst.idx.msk $0xffff, v1  }
0x43: {  	v0 =	vld [tilespmem:s20+$0x5800];
	_ =	sdelay $0x2  }
0x44: {  	v1 =	vld [tilespmem:s20+$0x0];
	_ =	sdelay $0x1  }
.Ltmp11:
0x45: {  	_ = 	snop;
	(pc) =	sbr.rel .LBB2_22-.Ltmp11, $3  }
0x46: {  	_ =	sdelay $0x1  }
0x47: {  	[tilespmem:v0+s17+$0x0] =	vst.idx.msk $0xffff, v1  }
0x48: {  	[hbm4b:s7+s1] =	stream.linear.scatter [tilespmem:s17], [sflag:$0x1], $0x1780, $0x38;
	[tilespmem:$0xC780] =	vst v63  }
.LBB2_16:
0x49: {  	s19 =	simm.s32 $0x0  }
0x4a: {  	[tilespmem:s15], [sflag:$0x1] =	stream.linear.gather [hbm4b:s4+s19], $0x5800, $0x38;
	[tilespmem:$0xC780] =	vst v63  }
0x4b: {  	_ =	swait.ge [sflag:s16], $0x5800  }
0x4c: {  	[sflag:s16] =	ssyncset.done $0x0  }
0x4d: {  	[sflag:s16] =	ssyncadd.s32 $0xFFFFA800  }
0x4e: {  	[tilespmem:s19], [sflag:$0x1] =	stream.linear.gather [hbm4b:s8+s19], $0x5800, $0x38;
	[tilespmem:$0xC780] =	vst v63  }
0x4f: {  	_ =	swait.ge [sflag:s16], $0x5800  }
0x50: {  	[sflag:s16] =	ssyncset.done $0x0  }
0x51: {  	s20 =	simm.s32 $0x0;
	s19 =	simm.s32 $0x40;
	[sflag:s16] =	ssyncadd.s32 $0xFFFFA800  }
.LBB2_17:
0x52: {  	p6 =	sne.s32 s19, $0x15FC0;
	v0 =	vld [tilespmem:s20+$0x5800];
	_ =	sdelay $0x2  }
0x53: {  	v1 =	vld [tilespmem:s20+$0x0]  }
.Ltmp12:
0x54: {  	(pc) =	sbr.rel @p6 .LBB2_17-.Ltmp12, $2  }
0x55: {  	_ =	sdelay $0x2  }
0x56: {  	s20 =	sshra.s32 s19, $0x2;
	s19 =	sadd.s32 $0x40, s19;
	[tilespmem:v0+s17+$0x0] =	vst.idx.msk $0xffff, v1  }
0x57: {  	v0 =	vld [tilespmem:s20+$0x5800];
	_ =	sdelay $0x2  }
0x58: {  	v1 =	vld [tilespmem:s20+$0x0];
	_ =	sdelay $0x1  }
.Ltmp13:
0x59: {  	_ = 	snop;
	(pc) =	sbr.rel .LBB2_22-.Ltmp13, $3  }
0x5a: {  	_ =	sdelay $0x1  }
0x5b: {  	[tilespmem:v0+s17+$0x0] =	vst.idx.msk $0xffff, v1  }
0x5c: {  	[hbm4b:s9+s1] =	stream.linear.scatter [tilespmem:s17], [sflag:$0x1], $0x1780, $0x38;
	[tilespmem:$0xC780] =	vst v63  }
.LBB2_19:
0x5d: {  	s19 =	simm.s32 $0x0  }
0x5e: {  	[tilespmem:s15], [sflag:$0x1] =	stream.linear.gather [hbm4b:s4+s19], $0x5800, $0x38;
	[tilespmem:$0xC780] =	vst v63  }
0x5f: {  	_ =	swait.ge [sflag:s16], $0x5800  }
0x60: {  	[sflag:s16] =	ssyncset.done $0x0  }
0x61: {  	[sflag:s16] =	ssyncadd.s32 $0xFFFFA800  }
0x62: {  	[tilespmem:s19], [sflag:$0x1] =	stream.linear.gather [hbm4b:s10+s19], $0x5800, $0x38;
	[tilespmem:$0xC780] =	vst v63  }
0x63: {  	_ =	swait.ge [sflag:s16], $0x5800  }
0x64: {  	[sflag:s16] =	ssyncset.done $0x0  }
0x65: {  	s20 =	simm.s32 $0x0;
	s19 =	simm.s32 $0x40;
	[sflag:s16] =	ssyncadd.s32 $0xFFFFA800  }
.LBB2_20:
0x66: {  	p6 =	sne.s32 s19, $0x15FC0;
	v0 =	vld [tilespmem:s20+$0x5800];
	_ =	sdelay $0x2  }
0x67: {  	v1 =	vld [tilespmem:s20+$0x0]  }
.Ltmp14:
0x68: {  	(pc) =	sbr.rel @p6 .LBB2_20-.Ltmp14, $2  }
0x69: {  	_ =	sdelay $0x2  }
0x6a: {  	s20 =	sshra.s32 s19, $0x2;
	s19 =	sadd.s32 $0x40, s19;
	[tilespmem:v0+s17+$0x0] =	vst.idx.msk $0xffff, v1  }
0x6b: {  	v0 =	vld [tilespmem:s20+$0x5800];
	_ =	sdelay $0x2  }
0x6c: {  	v1 =	vld [tilespmem:s20+$0x0];
	_ =	sdelay $0x1  }
.Ltmp15:
0x6d: {  	_ = 	snop;
	(pc) =	sbr.rel .LBB2_22-.Ltmp15, $3  }
0x6e: {  	_ =	sdelay $0x1  }
0x6f: {  	[tilespmem:v0+s17+$0x0] =	vst.idx.msk $0xffff, v1  }
0x70: {  	[hbm4b:s11+s1] =	stream.linear.scatter [tilespmem:s17], [sflag:$0x1], $0x1780, $0x38;
	[tilespmem:$0xC780] =	vst v63  }
.LBB2_13:
0x71: {  	s19 =	simm.s32 $0x0  }
0x72: {  	[tilespmem:s15], [sflag:$0x1] =	stream.linear.gather [hbm4b:s4+s19], $0x5800, $0x38;
	[tilespmem:$0xC780] =	vst v63  }
0x73: {  	_ =	swait.ge [sflag:s16], $0x5800  }
0x74: {  	[sflag:s16] =	ssyncset.done $0x0  }
0x75: {  	[sflag:s16] =	ssyncadd.s32 $0xFFFFA800  }
0x76: {  	[tilespmem:s19], [sflag:$0x1] =	stream.linear.gather [hbm4b:s2+s19], $0x5800, $0x38;
	[tilespmem:$0xC780] =	vst v63  }
0x77: {  	_ =	swait.ge [sflag:s16], $0x5800  }
0x78: {  	[sflag:s16] =	ssyncset.done $0x0  }
0x79: {  	s20 =	simm.s32 $0x0;
	s19 =	simm.s32 $0x40;
	[sflag:s16] =	ssyncadd.s32 $0xFFFFA800  }
.LBB2_14:
0x7a: {  	p6 =	sne.s32 s19, $0x15FC0;
	v0 =	vld [tilespmem:s20+$0x5800];
	_ =	sdelay $0x2  }
0x7b: {  	v1 =	vld [tilespmem:s20+$0x0]  }
.Ltmp16:
0x7c: {  	(pc) =	sbr.rel @p6 .LBB2_14-.Ltmp16, $2  }
0x7d: {  	_ =	sdelay $0x2  }
0x7e: {  	s20 =	sshra.s32 s19, $0x2;
	s19 =	sadd.s32 $0x40, s19;
	[tilespmem:v0+s17+$0x0] =	vst.idx.msk $0xffff, v1  }
0x7f: {  	v0 =	vld [tilespmem:s20+$0x5800];
	_ =	sdelay $0x2  }
0x80: {  	v1 =	vld [tilespmem:s20+$0x0];
	_ =	sdelay $0x1  }
.Ltmp17:
0x81: {  	_ = 	snop;
	(pc) =	sbr.rel .LBB2_22-.Ltmp17, $3  }
0x82: {  	_ =	sdelay $0x1  }
0x83: {  	[tilespmem:v0+s17+$0x0] =	vst.idx.msk $0xffff, v1  }
0x84: {  	[hbm4b:s5+s1] =	stream.linear.scatter [tilespmem:s17], [sflag:$0x1], $0x1780, $0x38;
	[tilespmem:$0xC780] =	vst v63  }
.LBB2_24:
0x85: {  	_ =	sfence.sel $0x180000  }
0x86: {  	[bflag:$0x0] =	sbarrier.arrive $0xFFFF  }
0x87: {  	p0 =	sne.s32 s3, $0x0;
	_ =	strace $0x90000047  }
0x88: {  	s0 =	sadd.s32 @!p0 $0x100000, s0;
	[bflag:$0x2] =	sbarrier.arrive $0xFFFF  }
0x89: {  	[sflag:s0] =	ssyncadd.tile.s32 @!p0 $0x1;
	_ =	shalt  }
.Lfunc_end2:
_tile_overlayer_lowered:
.L_overlay_start_2:
0x8a: {  	(tag) =	ssettag $0x2  }
0x8b: {  	s0 =	rddreg [dreg:$0x0];
	s2 =	stileid.u32  }
0x8c: {  	s1 =	rddreg [dreg:$0x1];
	p0 =	sne.s32 s2, $0x0  }
0x8d: {  	s3 =	rddreg [dreg:$0x2];
	[bflag:$0x3] =	sbarrier.arrive $0xFFFF;
	s2 =	simm.s32 @!p0 $0x1C01  }
0x8e: {  	[timem:s3], [sflag:s2] =	dma.local @!p0 [hbm:s0], s1  }
0x8f: {  	s0 =	simm.s32 @!p0 $0x1  }
0x90: {  	_ =	swait.ge @!p0 [sflag:s0], s1  }
0x91: {  	s1 =	ssub.s32 @!p0 $0x0, s1;
	[sflag:s0] =	ssyncset.done @!p0 $0x0  }
0x92: {  	[sflag:s0] =	ssyncadd.s32 @!p0 s1  }
0x93: {  	[bflag:$0x3] =	sbarrier.arrive $0xFFFF  }
0x94: {  	_ =	shalt  }

</sc_bundles>
